<compile_context>
chip_gen: v7x
topology: tpu7x:2x2x1
jax: 0.10.2.dev20260603
libtpu: 0.0.44.dev20260713+nightly
codegen_flags: <defaults>
</compile_context>

<pallas_src>
import functools

import jax
import jax.numpy as jnp
from jax import lax
from jax.experimental import pallas as pl
from jax.experimental.pallas import tpu as pltpu
from jax.experimental.pallas import tpu_sc as plsc

N_ENTITIES = 100000
N_RELATIONS = 32
EMBED_DIM = 128
REL_DIM = 64
GAMMA = 12.0
EPSILON = 2.0
EMB_RANGE = (GAMMA + EPSILON) / EMBED_DIM
KG_LAMBDA = 1e-05
B = 16384
PI = 3.1415926235897933

NC = 2
NS = 16
NW = NC * NS
TOTAL_ROWS = 3 * B
ROWS_PER_W = TOTAL_ROWS // NW
CHUNK = 128
NCHUNK = ROWS_PER_W // CHUNK

T = 512
NGROUP = N_RELATIONS // 2


def _sc_gather(table, idx):
    mesh = plsc.VectorSubcoreMesh(
        core_axis_name="c", subcore_axis_name="s", num_cores=NC, num_subcores=NS)

    @functools.partial(
        pl.kernel,
        out_type=jax.ShapeDtypeStruct((TOTAL_ROWS, EMBED_DIM), jnp.float32),
        mesh=mesh,
        scratch_types=[
            pltpu.VMEM((ROWS_PER_W,), jnp.int32),
            pltpu.VMEM((CHUNK, EMBED_DIM), jnp.float32),
            pltpu.SemaphoreType.DMA,
        ],
    )
    def gather_kernel(table_hbm, idx_hbm, out_hbm, idx_v, rows_v, sem):
        wid = lax.axis_index("s") * NC + lax.axis_index("c")
        pltpu.sync_copy(idx_hbm.at[pl.ds(wid * ROWS_PER_W, ROWS_PER_W)], idx_v)
        for c in range(NCHUNK):
            pltpu.async_copy(
                table_hbm.at[idx_v.at[pl.ds(c * CHUNK, CHUNK)]], rows_v,
                sem).wait()
            pltpu.sync_copy(
                rows_v, out_hbm.at[pl.ds(wid * ROWS_PER_W + c * CHUNK, CHUNK)])

    return gather_kernel(table, idx)


def _score_kernel(h_ref, p_ref, n_ref, r_ref, g01_ref, w_ref, r128_ref,
                  mod_ref, kg_ref, l2_ref, acc_ref):
    i = pl.program_id(0)
    inv_scale = PI / EMB_RANGE

    x3 = jnp.concatenate([h_ref[...], p_ref[...], n_ref[...]], axis=0)
    x3b = x3.astype(jnp.bfloat16)
    r = r_ref[...]
    r3 = jnp.concatenate([r, r, r], axis=0)
    lane = lax.broadcasted_iota(jnp.int32, (3 * T, EMBED_DIM), 1)
    half = (lane >= REL_DIM).astype(jnp.int32)

    glo = g01_ref[0, 0, 0]
    ghi = g01_ref[0, 0, 1]
    acc_ref[...] = jnp.zeros((3 * T, EMBED_DIM), jnp.float32)
    for g in range(NGROUP):
        @pl.when((glo <= g) & (g <= ghi))
        def _():
            wg = w_ref[:, g * 128:(g + 1) * 128]
            m = r3 == (2 * g + half)
            acc_ref[...] = jnp.where(
                m, jnp.dot(x3b, wg, preferred_element_type=jnp.float32),
                acc_ref[...])

    acc = acc_ref[...] * inv_scale
    a_h = acc[0:T]
    a_p = acc[T:2 * T]
    a_n = acc[2 * T:3 * T]

    rel32 = lax.broadcasted_iota(jnp.int32, (T, N_RELATIONS), 1)
    onehot = (r == rel32).astype(jnp.float32)
    remb = jnp.dot(onehot, r128_ref[...],
                   preferred_element_type=jnp.float32) * inv_scale

    mval = mod_ref[0, 0]
    base = a_h + remb
    argp = base - a_p
    argn = base - a_n
    packed = jnp.concatenate(
        [argp[:, :REL_DIM] + argp[:, REL_DIM:],
         argn[:, :REL_DIM] + argn[:, REL_DIM:]], axis=1)
    u = packed * (1.0 / PI)
    f = u - jnp.round(u)
    y = jnp.abs(f)
    y2 = y * y
    s = y * (3.14158476 + y2 * (-5.16724806 + y2 * (2.54287504
                                                    + y2 * -0.55715812)))
    lane2 = lax.broadcasted_iota(jnp.int32, (T, EMBED_DIM), 1)
    sgn = jnp.where(lane2 < REL_DIM, 1.0, -1.0)
    d = jnp.sum(s * sgn, axis=1, keepdims=True)
    d4 = d.reshape(T // 128, 128)
    x = d4 * mval
    kg = jnp.maximum(-x, 0.0) + jnp.log1p(jnp.exp(-jnp.abs(x)))
    kg_part = jnp.sum(kg).reshape(1, 1)
    l2_part = (0.5 * (jnp.sum(a_h * a_h) + jnp.sum(remb * remb)
                      + jnp.sum(a_p * a_p) + jnp.sum(a_n * a_n))).reshape(1, 1)

    @pl.when(i == 0)
    def _():
        kg_ref[...] = jnp.zeros((1, 1), jnp.float32)
        l2_ref[...] = jnp.zeros((1, 1), jnp.float32)

    kg_ref[...] += kg_part
    l2_ref[...] += l2_part


def _tc_score(rows, r2d, g01, w_t, r128, modulus):
    nblk = B // T
    return pl.pallas_call(
        _score_kernel,
        grid=(nblk,),
        in_specs=[
            pl.BlockSpec((T, EMBED_DIM), lambda i: (i, 0)),
            pl.BlockSpec((T, EMBED_DIM), lambda i: (i + nblk, 0)),
            pl.BlockSpec((T, EMBED_DIM), lambda i: (i + 2 * nblk, 0)),
            pl.BlockSpec((T, 1), lambda i: (i, 0)),
            pl.BlockSpec((1, 1, 2), lambda i: (i, 0, 0)),
            pl.BlockSpec((EMBED_DIM, N_RELATIONS * REL_DIM), lambda i: (0, 0)),
            pl.BlockSpec((N_RELATIONS, EMBED_DIM), lambda i: (0, 0)),
            pl.BlockSpec((1, 1), lambda i: (0, 0)),
        ],
        out_specs=[
            pl.BlockSpec((1, 1), lambda i: (0, 0)),
            pl.BlockSpec((1, 1), lambda i: (0, 0)),
        ],
        out_shape=[
            jax.ShapeDtypeStruct((1, 1), jnp.float32),
            jax.ShapeDtypeStruct((1, 1), jnp.float32),
        ],
        scratch_shapes=[pltpu.VMEM((3 * T, EMBED_DIM), jnp.float32)],
    )(rows, rows, rows, r2d, g01, w_t, r128, modulus)


def kernel(h, r, pos_t, neg_t, entity_embed, relation_embed_w, trans_M, modulus):
    perm = jnp.argsort(r.astype(jnp.int32))
    h = h[perm]
    pos_t = pos_t[perm]
    neg_t = neg_t[perm]
    r = r[perm]
    idx = jnp.concatenate([h, pos_t, neg_t]).astype(jnp.int32)
    rows = _sc_gather(entity_embed, idx)

    w_t = jnp.transpose(trans_M, (1, 0, 2)).reshape(
        EMBED_DIM, N_RELATIONS * REL_DIM).astype(jnp.bfloat16)
    parity = (jnp.arange(N_RELATIONS, dtype=jnp.int32) % 2)[:, None]
    parity = parity.astype(jnp.float32)
    r128 = jnp.concatenate([relation_embed_w * (1.0 - parity),
                            relation_embed_w * parity], axis=1)
    r2d = r.astype(jnp.int32).reshape(B, 1)
    rt = r2d.reshape(B // T, T) >> 1
    g01 = jnp.stack([rt.min(axis=1), rt.max(axis=1)],
                    axis=1).reshape(B // T, 1, 2)

    kg_sum, l2_sum = _tc_score(rows, r2d, g01, w_t, r128, modulus)
    return (kg_sum[0, 0] + KG_LAMBDA * l2_sum[0, 0]) / B

# --- scband reference (transcript-rebuilt; emitter-appended) ---
"""Pipeline reference for scband-consecutive-visit-model-74955769250542 (READ-ONLY COPY).

The authoritative reference and input builder live on the scoring server;
editing this copy changes nothing except your own understanding.
"""

import jax, jax.numpy as jnp
import numpy as np

N_ENTITIES = 100000
N_RELATIONS = 32
EMBED_DIM = 128
REL_DIM = 64
GAMMA = 12.0
EPSILON = 2.0
EMB_RANGE = (GAMMA + EPSILON) / EMBED_DIM
KG_LAMBDA = 1e-05
B = 16384


def setup_inputs(seed: int = 0):
    key = jax.random.key(seed)
    ks = jax.random.split(key, 8)
    h = jax.random.randint(ks[0], (B,), 0, N_ENTITIES)
    r = jax.random.randint(ks[1], (B,), 0, N_RELATIONS)
    pos_t = jax.random.randint(ks[2], (B,), 0, N_ENTITIES)
    neg_t = jax.random.randint(ks[3], (B,), 0, N_ENTITIES)
    entity_embed = jax.random.uniform(ks[4], (N_ENTITIES, EMBED_DIM), minval=-EMB_RANGE, maxval=EMB_RANGE, dtype=jnp.float32)
    relation_embed_w = jax.random.uniform(ks[5], (N_RELATIONS, REL_DIM), minval=-EMB_RANGE, maxval=EMB_RANGE, dtype=jnp.float32)
    # xavier_uniform for trans_M
    bound = float(np.sqrt(6.0 / (EMBED_DIM + REL_DIM)))
    trans_M = jax.random.uniform(ks[6], (N_RELATIONS, EMBED_DIM, REL_DIM), minval=-bound, maxval=bound, dtype=jnp.float32)
    modulus = jnp.full((1, 1), 0.5 * EMB_RANGE, dtype=jnp.float32)
    return {"h": h, "r": r, "pos_t": pos_t, "neg_t": neg_t,
            "entity_embed": entity_embed, "relation_embed_w": relation_embed_w,
            "trans_M": trans_M, "modulus": modulus}


def reference(h, r, pos_t, neg_t, entity_embed, relation_embed_w, trans_M, modulus):
    pi = 3.1415926235897933
    # embedding gathers (SparseCore-mappable)
    r_embed = jnp.take(relation_embed_w, r, axis=0)          # (B, REL_DIM)
    W_r = jnp.take(trans_M, r, axis=0)                       # (B, EMBED_DIM, REL_DIM)
    h_embed = jnp.take(entity_embed, h, axis=0)              # (B, EMBED_DIM)
    pos_t_embed = jnp.take(entity_embed, pos_t, axis=0)
    neg_t_embed = jnp.take(entity_embed, neg_t, axis=0)
    # bmm(h.unsqueeze(1), W_r).squeeze(1)
    r_mul_h = jnp.einsum('bd,bdk->bk', h_embed, W_r)
    r_mul_pos_t = jnp.einsum('bd,bdk->bk', pos_t_embed, W_r)
    r_mul_neg_t = jnp.einsum('bd,bdk->bk', neg_t_embed, W_r)
    scale = EMB_RANGE / pi
    r_mul_h = r_mul_h / scale
    r_embed = r_embed / scale
    r_mul_pos_t = r_mul_pos_t / scale
    r_mul_neg_t = r_mul_neg_t / scale
    pos_score = jnp.abs(jnp.sin(r_mul_h + r_embed - r_mul_pos_t))
    pos_score = GAMMA - jnp.sum(pos_score, axis=1) * modulus
    neg_score = jnp.abs(jnp.sin(r_mul_h + r_embed - r_mul_neg_t))
    neg_score = GAMMA - jnp.sum(neg_score, axis=1) * modulus
    kg_loss = -1.0 * jax.nn.log_sigmoid(neg_score - pos_score)
    kg_loss = jnp.mean(kg_loss)

    def _l2_loss_mean(x):
        return jnp.mean(jnp.sum(jnp.power(x, 2), axis=1) / 2.0)

    l2_loss = (_l2_loss_mean(r_mul_h) + _l2_loss_mean(r_embed)
               + _l2_loss_mean(r_mul_pos_t) + _l2_loss_mean(r_mul_neg_t))
    loss = kg_loss + KG_LAMBDA * l2_loss
    return loss

if __name__ == "__main__":
    import jax
    _d = setup_inputs()
    print(jax.jit(kernel)(*tuple(_d.values())))

</pallas_src>

<mosaic_0001>
#map = affine_map<(d0, d1) -> (0, 0)>
#map1 = affine_map<(d0, d1) -> (0)>
module attributes {stable_mosaic.version = 14 : i64} {
  func.func @gather_kernel(%arg0: i32, %arg1: i32, %arg2: memref<100000x128xf32, #tpu.memory_space<hbm>>, %arg3: memref<49152xi32, #tpu.memory_space<hbm>>, %arg4: memref<49152x128xf32, #tpu.memory_space<hbm>>, %arg5: memref<1536xi32, #tpu.memory_space<vmem>>, %arg6: memref<128x128xf32, #tpu.memory_space<vmem>>, %arg7: memref<!tpu.dma_semaphore, #tpu.memory_space<semaphore_mem>>) attributes {dimension_semantics = [#tpu.dimension_semantics<core_parallel>, #tpu.dimension_semantics<subcore_parallel>], iteration_bounds = array<i64: 2, 16>, scalar_prefetch = 0 : i64, scratch_operands = 3 : i64, tpu.core_type = #tpu.core_type<sc_vector_subcore>, window_params = [{transform_indices = #map}, {transform_indices = #map1}, {transform_indices = #map}]} {
    %mul3A = arith.constant 2 : i32
    %mul3A_0 = arith.muli %arg1, %mul3A : i32
    %add3A = arith.addi %mul3A_0, %arg0 : i32
    %mul3A_1 = arith.constant 1536 : i32
    %mul3A_2 = arith.muli %add3A, %mul3A_1 : i32
    "tpu.region"() ({
      %run_scoped3A = tpu.sem_alloc : memref<!tpu.dma_semaphore, #tpu.memory_space<semaphore_mem>>
      %dma_start3A_169 = tpu.memref_slice %arg3[%mul3A_2] : memref<49152xi32, #tpu.memory_space<hbm>> -> memref<1536xi32, #tpu.memory_space<hbm>>
      %dma_start3A_170 = tpu.memref_slice %arg3[%mul3A_2] : memref<49152xi32, #tpu.memory_space<hbm>> -> memref<1536xi32, #tpu.memory_space<hbm>>
      tpu.enqueue_dma source(%dma_start3A_170 : memref<1536xi32, #tpu.memory_space<hbm>>) target(%arg5 : memref<1536xi32, #tpu.memory_space<vmem>>) target_semaphore(%run_scoped3A : memref<!tpu.dma_semaphore, #tpu.memory_space<semaphore_mem>>)
      %dma_wait3A_171 = tpu.memref_slice %arg3[%mul3A_2] : memref<49152xi32, #tpu.memory_space<hbm>> -> memref<1536xi32, #tpu.memory_space<hbm>>
      %dma_wait3A_172 = tpu.memref_slice %arg3[%mul3A_2] : memref<49152xi32, #tpu.memory_space<hbm>> -> memref<1536xi32, #tpu.memory_space<hbm>>
      tpu.wait_dma2 semaphore(%run_scoped3A : memref<!tpu.dma_semaphore, #tpu.memory_space<semaphore_mem>>) src(%dma_wait3A_172 : memref<1536xi32, #tpu.memory_space<hbm>>) dst(%arg5 : memref<1536xi32, #tpu.memory_space<vmem>>)
      tpu.yield
    }) : () -> ()
    %dma_start3A = arith.constant 0 : i32
    %dma_start3A_3 = tpu.memref_slice %arg5[%dma_start3A] : memref<1536xi32, #tpu.memory_space<vmem>> -> memref<128xi32, #tpu.memory_space<vmem>>
    %dma_start3A_4 = arith.constant 0 : i32
    %dma_start3A_5 = arith.constant 0 : i32
    %dma_start3A_6 = tpu.memref_slice %arg2[%dma_start3A_4, %dma_start3A_5] : memref<100000x128xf32, #tpu.memory_space<hbm>> -> memref<100000x128xf32, #tpu.memory_space<hbm>>
    tpu.enqueue_indirect_dma source(%dma_start3A_6 : memref<100000x128xf32, #tpu.memory_space<hbm>>) target(%arg6 : memref<128x128xf32, #tpu.memory_space<vmem>>) offsets(%dma_start3A_3 : memref<128xi32, #tpu.memory_space<vmem>>) semaphore(%arg7 : memref<!tpu.dma_semaphore, #tpu.memory_space<semaphore_mem>>)
    %dma_wait3A = arith.constant 0 : i32
    %dma_wait3A_7 = tpu.memref_slice %arg5[%dma_wait3A] : memref<1536xi32, #tpu.memory_space<vmem>> -> memref<128xi32, #tpu.memory_space<vmem>>
    %dma_wait3A_8 = arith.constant 0 : i32
    %dma_wait3A_9 = arith.constant 0 : i32
    %dma_wait3A_10 = tpu.memref_slice %arg2[%dma_wait3A_8, %dma_wait3A_9] : memref<100000x128xf32, #tpu.memory_space<hbm>> -> memref<100000x128xf32, #tpu.memory_space<hbm>>
    tpu.wait_indirect_dma semaphore(%arg7 : memref<!tpu.dma_semaphore, #tpu.memory_space<semaphore_mem>>) src(%dma_wait3A_10 : memref<100000x128xf32, #tpu.memory_space<hbm>>) dst(%arg6 : memref<128x128xf32, #tpu.memory_space<vmem>>)
    %mul3A_11 = arith.constant 1536 : i32
    %mul3A_12 = arith.muli %add3A, %mul3A_11 : i32
    %add3A_13 = arith.constant 0 : i32
    %add3A_14 = arith.addi %mul3A_12, %add3A_13 : i32
    "tpu.region"() ({
      %run_scoped3A = tpu.sem_alloc : memref<!tpu.dma_semaphore, #tpu.memory_space<semaphore_mem>>
      %dma_start3A_169 = arith.constant 0 : i32
      %dma_start3A_170 = tpu.memref_slice %arg4[%add3A_14, %dma_start3A_169] : memref<49152x128xf32, #tpu.memory_space<hbm>> -> memref<128x128xf32, #tpu.memory_space<hbm>>
      %dma_start3A_171 = arith.constant 0 : i32
      %dma_start3A_172 = tpu.memref_slice %arg4[%add3A_14, %dma_start3A_171] : memref<49152x128xf32, #tpu.memory_space<hbm>> -> memref<128x128xf32, #tpu.memory_space<hbm>>
      tpu.enqueue_dma source(%arg6 : memref<128x128xf32, #tpu.memory_space<vmem>>) target(%dma_start3A_172 : memref<128x128xf32, #tpu.memory_space<hbm>>) target_semaphore(%run_scoped3A : memref<!tpu.dma_semaphore, #tpu.memory_space<semaphore_mem>>)
      %dma_wait3A_173 = arith.constant 0 : i32
      %dma_wait3A_174 = tpu.memref_slice %arg4[%add3A_14, %dma_wait3A_173] : memref<49152x128xf32, #tpu.memory_space<hbm>> -> memref<128x128xf32, #tpu.memory_space<hbm>>
      %dma_wait3A_175 = arith.constant 0 : i32
      %dma_wait3A_176 = tpu.memref_slice %arg4[%add3A_14, %dma_wait3A_175] : memref<49152x128xf32, #tpu.memory_space<hbm>> -> memref<128x128xf32, #tpu.memory_space<hbm>>
      tpu.wait_dma2 semaphore(%run_scoped3A : memref<!tpu.dma_semaphore, #tpu.memory_space<semaphore_mem>>) src(%arg6 : memref<128x128xf32, #tpu.memory_space<vmem>>) dst(%dma_wait3A_176 : memref<128x128xf32, #tpu.memory_space<hbm>>)
      tpu.yield
    }) : () -> ()
    %dma_start3A_15 = arith.constant 128 : i32
    %dma_start3A_16 = tpu.memref_slice %arg5[%dma_start3A_15] : memref<1536xi32, #tpu.memory_space<vmem>> -> memref<128xi32, #tpu.memory_space<vmem>>
    %dma_start3A_17 = arith.constant 0 : i32
    %dma_start3A_18 = arith.constant 0 : i32
    %dma_start3A_19 = tpu.memref_slice %arg2[%dma_start3A_17, %dma_start3A_18] : memref<100000x128xf32, #tpu.memory_space<hbm>> -> memref<100000x128xf32, #tpu.memory_space<hbm>>
    tpu.enqueue_indirect_dma source(%dma_start3A_19 : memref<100000x128xf32, #tpu.memory_space<hbm>>) target(%arg6 : memref<128x128xf32, #tpu.memory_space<vmem>>) offsets(%dma_start3A_16 : memref<128xi32, #tpu.memory_space<vmem>>) semaphore(%arg7 : memref<!tpu.dma_semaphore, #tpu.memory_space<semaphore_mem>>)
    %dma_wait3A_20 = arith.constant 128 : i32
    %dma_wait3A_21 = tpu.memref_slice %arg5[%dma_wait3A_20] : memref<1536xi32, #tpu.memory_space<vmem>> -> memref<128xi32, #tpu.memory_space<vmem>>
    %dma_wait3A_22 = arith.constant 0 : i32
    %dma_wait3A_23 = arith.constant 0 : i32
    %dma_wait3A_24 = tpu.memref_slice %arg2[%dma_wait3A_22, %dma_wait3A_23] : memref<100000x128xf32, #tpu.memory_space<hbm>> -> memref<100000x128xf32, #tpu.memory_space<hbm>>
    tpu.wait_indirect_dma semaphore(%arg7 : memref<!tpu.dma_semaphore, #tpu.memory_space<semaphore_mem>>) src(%dma_wait3A_24 : memref<100000x128xf32, #tpu.memory_space<hbm>>) dst(%arg6 : memref<128x128xf32, #tpu.memory_space<vmem>>)
    %mul3A_25 = arith.constant 1536 : i32
    %mul3A_26 = arith.muli %add3A, %mul3A_25 : i32
    %add3A_27 = arith.constant 128 : i32
    %add3A_28 = arith.addi %mul3A_26, %add3A_27 : i32
    "tpu.region"() ({
      %run_scoped3A = tpu.sem_alloc : memref<!tpu.dma_semaphore, #tpu.memory_space<semaphore_mem>>
      %dma_start3A_169 = arith.constant 0 : i32
      %dma_start3A_170 = tpu.memref_slice %arg4[%add3A_28, %dma_start3A_169] : memref<49152x128xf32, #tpu.memory_space<hbm>> -> memref<128x128xf32, #tpu.memory_space<hbm>>
      %dma_start3A_171 = arith.constant 0 : i32
      %dma_start3A_172 = tpu.memref_slice %arg4[%add3A_28, %dma_start3A_171] : memref<49152x128xf32, #tpu.memory_space<hbm>> -> memref<128x128xf32, #tpu.memory_space<hbm>>
      tpu.enqueue_dma source(%arg6 : memref<128x128xf32, #tpu.memory_space<vmem>>) target(%dma_start3A_172 : memref<128x128xf32, #tpu.memory_space<hbm>>) target_semaphore(%run_scoped3A : memref<!tpu.dma_semaphore, #tpu.memory_space<semaphore_mem>>)
      %dma_wait3A_173 = arith.constant 0 : i32
      %dma_wait3A_174 = tpu.memref_slice %arg4[%add3A_28, %dma_wait3A_173] : memref<49152x128xf32, #tpu.memory_space<hbm>> -> memref<128x128xf32, #tpu.memory_space<hbm>>
      %dma_wait3A_175 = arith.constant 0 : i32
      %dma_wait3A_176 = tpu.memref_slice %arg4[%add3A_28, %dma_wait3A_175] : memref<49152x128xf32, #tpu.memory_space<hbm>> -> memref<128x128xf32, #tpu.memory_space<hbm>>
      tpu.wait_dma2 semaphore(%run_scoped3A : memref<!tpu.dma_semaphore, #tpu.memory_space<semaphore_mem>>) src(%arg6 : memref<128x128xf32, #tpu.memory_space<vmem>>) dst(%dma_wait3A_176 : memref<128x128xf32, #tpu.memory_space<hbm>>)
      tpu.yield
    }) : () -> ()
    %dma_start3A_29 = arith.constant 256 : i32
    %dma_start3A_30 = tpu.memref_slice %arg5[%dma_start3A_29] : memref<1536xi32, #tpu.memory_space<vmem>> -> memref<128xi32, #tpu.memory_space<vmem>>
    %dma_start3A_31 = arith.constant 0 : i32
    %dma_start3A_32 = arith.constant 0 : i32
    %dma_start3A_33 = tpu.memref_slice %arg2[%dma_start3A_31, %dma_start3A_32] : memref<100000x128xf32, #tpu.memory_space<hbm>> -> memref<100000x128xf32, #tpu.memory_space<hbm>>
    tpu.enqueue_indirect_dma source(%dma_start3A_33 : memref<100000x128xf32, #tpu.memory_space<hbm>>) target(%arg6 : memref<128x128xf32, #tpu.memory_space<vmem>>) offsets(%dma_start3A_30 : memref<128xi32, #tpu.memory_space<vmem>>) semaphore(%arg7 : memref<!tpu.dma_semaphore, #tpu.memory_space<semaphore_mem>>)
    %dma_wait3A_34 = arith.constant 256 : i32
    %dma_wait3A_35 = tpu.memref_slice %arg5[%dma_wait3A_34] : memref<1536xi32, #tpu.memory_space<vmem>> -> memref<128xi32, #tpu.memory_space<vmem>>
    %dma_wait3A_36 = arith.constant 0 : i32
    %dma_wait3A_37 = arith.constant 0 : i32
    %dma_wait3A_38 = tpu.memref_slice %arg2[%dma_wait3A_36, %dma_wait3A_37] : memref<100000x128xf32, #tpu.memory_space<hbm>> -> memref<100000x128xf32, #tpu.memory_space<hbm>>
    tpu.wait_indirect_dma semaphore(%arg7 : memref<!tpu.dma_semaphore, #tpu.memory_space<semaphore_mem>>) src(%dma_wait3A_38 : memref<100000x128xf32, #tpu.memory_space<hbm>>) dst(%arg6 : memref<128x128xf32, #tpu.memory_space<vmem>>)
    %mul3A_39 = arith.constant 1536 : i32
    %mul3A_40 = arith.muli %add3A, %mul3A_39 : i32
    %add3A_41 = arith.constant 256 : i32
    %add3A_42 = arith.addi %mul3A_40, %add3A_41 : i32
    "tpu.region"() ({
      %run_scoped3A = tpu.sem_alloc : memref<!tpu.dma_semaphore, #tpu.memory_space<semaphore_mem>>
      %dma_start3A_169 = arith.constant 0 : i32
      %dma_start3A_170 = tpu.memref_slice %arg4[%add3A_42, %dma_start3A_169] : memref<49152x128xf32, #tpu.memory_space<hbm>> -> memref<128x128xf32, #tpu.memory_space<hbm>>
      %dma_start3A_171 = arith.constant 0 : i32
      %dma_start3A_172 = tpu.memref_slice %arg4[%add3A_42, %dma_start3A_171] : memref<49152x128xf32, #tpu.memory_space<hbm>> -> memref<128x128xf32, #tpu.memory_space<hbm>>
      tpu.enqueue_dma source(%arg6 : memref<128x128xf32, #tpu.memory_space<vmem>>) target(%dma_start3A_172 : memref<128x128xf32, #tpu.memory_space<hbm>>) target_semaphore(%run_scoped3A : memref<!tpu.dma_semaphore, #tpu.memory_space<semaphore_mem>>)
      %dma_wait3A_173 = arith.constant 0 : i32
      %dma_wait3A_174 = tpu.memref_slice %arg4[%add3A_42, %dma_wait3A_173] : memref<49152x128xf32, #tpu.memory_space<hbm>> -> memref<128x128xf32, #tpu.memory_space<hbm>>
      %dma_wait3A_175 = arith.constant 0 : i32
      %dma_wait3A_176 = tpu.memref_slice %arg4[%add3A_42, %dma_wait3A_175] : memref<49152x128xf32, #tpu.memory_space<hbm>> -> memref<128x128xf32, #tpu.memory_space<hbm>>
      tpu.wait_dma2 semaphore(%run_scoped3A : memref<!tpu.dma_semaphore, #tpu.memory_space<semaphore_mem>>) src(%arg6 : memref<128x128xf32, #tpu.memory_space<vmem>>) dst(%dma_wait3A_176 : memref<128x128xf32, #tpu.memory_space<hbm>>)
      tpu.yield
    }) : () -> ()
    %dma_start3A_43 = arith.constant 384 : i32
    %dma_start3A_44 = tpu.memref_slice %arg5[%dma_start3A_43] : memref<1536xi32, #tpu.memory_space<vmem>> -> memref<128xi32, #tpu.memory_space<vmem>>
    %dma_start3A_45 = arith.constant 0 : i32
    %dma_start3A_46 = arith.constant 0 : i32
    %dma_start3A_47 = tpu.memref_slice %arg2[%dma_start3A_45, %dma_start3A_46] : memref<100000x128xf32, #tpu.memory_space<hbm>> -> memref<100000x128xf32, #tpu.memory_space<hbm>>
    tpu.enqueue_indirect_dma source(%dma_start3A_47 : memref<100000x128xf32, #tpu.memory_space<hbm>>) target(%arg6 : memref<128x128xf32, #tpu.memory_space<vmem>>) offsets(%dma_start3A_44 : memref<128xi32, #tpu.memory_space<vmem>>) semaphore(%arg7 : memref<!tpu.dma_semaphore, #tpu.memory_space<semaphore_mem>>)
    %dma_wait3A_48 = arith.constant 384 : i32
    %dma_wait3A_49 = tpu.memref_slice %arg5[%dma_wait3A_48] : memref<1536xi32, #tpu.memory_space<vmem>> -> memref<128xi32, #tpu.memory_space<vmem>>
    %dma_wait3A_50 = arith.constant 0 : i32
    %dma_wait3A_51 = arith.constant 0 : i32
    %dma_wait3A_52 = tpu.memref_slice %arg2[%dma_wait3A_50, %dma_wait3A_51] : memref<100000x128xf32, #tpu.memory_space<hbm>> -> memref<100000x128xf32, #tpu.memory_space<hbm>>
    tpu.wait_indirect_dma semaphore(%arg7 : memref<!tpu.dma_semaphore, #tpu.memory_space<semaphore_mem>>) src(%dma_wait3A_52 : memref<100000x128xf32, #tpu.memory_space<hbm>>) dst(%arg6 : memref<128x128xf32, #tpu.memory_space<vmem>>)
    %mul3A_53 = arith.constant 1536 : i32
    %mul3A_54 = arith.muli %add3A, %mul3A_53 : i32
    %add3A_55 = arith.constant 384 : i32
    %add3A_56 = arith.addi %mul3A_54, %add3A_55 : i32
    "tpu.region"() ({
      %run_scoped3A = tpu.sem_alloc : memref<!tpu.dma_semaphore, #tpu.memory_space<semaphore_mem>>
      %dma_start3A_169 = arith.constant 0 : i32
      %dma_start3A_170 = tpu.memref_slice %arg4[%add3A_56, %dma_start3A_169] : memref<49152x128xf32, #tpu.memory_space<hbm>> -> memref<128x128xf32, #tpu.memory_space<hbm>>
      %dma_start3A_171 = arith.constant 0 : i32
      %dma_start3A_172 = tpu.memref_slice %arg4[%add3A_56, %dma_start3A_171] : memref<49152x128xf32, #tpu.memory_space<hbm>> -> memref<128x128xf32, #tpu.memory_space<hbm>>
      tpu.enqueue_dma source(%arg6 : memref<128x128xf32, #tpu.memory_space<vmem>>) target(%dma_start3A_172 : memref<128x128xf32, #tpu.memory_space<hbm>>) target_semaphore(%run_scoped3A : memref<!tpu.dma_semaphore, #tpu.memory_space<semaphore_mem>>)
      %dma_wait3A_173 = arith.constant 0 : i32
      %dma_wait3A_174 = tpu.memref_slice %arg4[%add3A_56, %dma_wait3A_173] : memref<49152x128xf32, #tpu.memory_space<hbm>> -> memref<128x128xf32, #tpu.memory_space<hbm>>
      %dma_wait3A_175 = arith.constant 0 : i32
      %dma_wait3A_176 = tpu.memref_slice %arg4[%add3A_56, %dma_wait3A_175] : memref<49152x128xf32, #tpu.memory_space<hbm>> -> memref<128x128xf32, #tpu.memory_space<hbm>>
      tpu.wait_dma2 semaphore(%run_scoped3A : memref<!tpu.dma_semaphore, #tpu.memory_space<semaphore_mem>>) src(%arg6 : memref<128x128xf32, #tpu.memory_space<vmem>>) dst(%dma_wait3A_176 : memref<128x128xf32, #tpu.memory_space<hbm>>)
      tpu.yield
    }) : () -> ()
    %dma_start3A_57 = arith.constant 512 : i32
    %dma_start3A_58 = tpu.memref_slice %arg5[%dma_start3A_57] : memref<1536xi32, #tpu.memory_space<vmem>> -> memref<128xi32, #tpu.memory_space<vmem>>
    %dma_start3A_59 = arith.constant 0 : i32
    %dma_start3A_60 = arith.constant 0 : i32
    %dma_start3A_61 = tpu.memref_slice %arg2[%dma_start3A_59, %dma_start3A_60] : memref<100000x128xf32, #tpu.memory_space<hbm>> -> memref<100000x128xf32, #tpu.memory_space<hbm>>
    tpu.enqueue_indirect_dma source(%dma_start3A_61 : memref<100000x128xf32, #tpu.memory_space<hbm>>) target(%arg6 : memref<128x128xf32, #tpu.memory_space<vmem>>) offsets(%dma_start3A_58 : memref<128xi32, #tpu.memory_space<vmem>>) semaphore(%arg7 : memref<!tpu.dma_semaphore, #tpu.memory_space<semaphore_mem>>)
    %dma_wait3A_62 = arith.constant 512 : i32
    %dma_wait3A_63 = tpu.memref_slice %arg5[%dma_wait3A_62] : memref<1536xi32, #tpu.memory_space<vmem>> -> memref<128xi32, #tpu.memory_space<vmem>>
    %dma_wait3A_64 = arith.constant 0 : i32
    %dma_wait3A_65 = arith.constant 0 : i32
    %dma_wait3A_66 = tpu.memref_slice %arg2[%dma_wait3A_64, %dma_wait3A_65] : memref<100000x128xf32, #tpu.memory_space<hbm>> -> memref<100000x128xf32, #tpu.memory_space<hbm>>
    tpu.wait_indirect_dma semaphore(%arg7 : memref<!tpu.dma_semaphore, #tpu.memory_space<semaphore_mem>>) src(%dma_wait3A_66 : memref<100000x128xf32, #tpu.memory_space<hbm>>) dst(%arg6 : memref<128x128xf32, #tpu.memory_space<vmem>>)
    %mul3A_67 = arith.constant 1536 : i32
    %mul3A_68 = arith.muli %add3A, %mul3A_67 : i32
    %add3A_69 = arith.constant 512 : i32
    %add3A_70 = arith.addi %mul3A_68, %add3A_69 : i32
    "tpu.region"() ({
      %run_scoped3A = tpu.sem_alloc : memref<!tpu.dma_semaphore, #tpu.memory_space<semaphore_mem>>
      %dma_start3A_169 = arith.constant 0 : i32
      %dma_start3A_170 = tpu.memref_slice %arg4[%add3A_70, %dma_start3A_169] : memref<49152x128xf32, #tpu.memory_space<hbm>> -> memref<128x128xf32, #tpu.memory_space<hbm>>
      %dma_start3A_171 = arith.constant 0 : i32
      %dma_start3A_172 = tpu.memref_slice %arg4[%add3A_70, %dma_start3A_171] : memref<49152x128xf32, #tpu.memory_space<hbm>> -> memref<128x128xf32, #tpu.memory_space<hbm>>
      tpu.enqueue_dma source(%arg6 : memref<128x128xf32, #tpu.memory_space<vmem>>) target(%dma_start3A_172 : memref<128x128xf32, #tpu.memory_space<hbm>>) target_semaphore(%run_scoped3A : memref<!tpu.dma_semaphore, #tpu.memory_space<semaphore_mem>>)
      %dma_wait3A_173 = arith.constant 0 : i32
      %dma_wait3A_174 = tpu.memref_slice %arg4[%add3A_70, %dma_wait3A_173] : memref<49152x128xf32, #tpu.memory_space<hbm>> -> memref<128x128xf32, #tpu.memory_space<hbm>>
      %dma_wait3A_175 = arith.constant 0 : i32
      %dma_wait3A_176 = tpu.memref_slice %arg4[%add3A_70, %dma_wait3A_175] : memref<49152x128xf32, #tpu.memory_space<hbm>> -> memref<128x128xf32, #tpu.memory_space<hbm>>
      tpu.wait_dma2 semaphore(%run_scoped3A : memref<!tpu.dma_semaphore, #tpu.memory_space<semaphore_mem>>) src(%arg6 : memref<128x128xf32, #tpu.memory_space<vmem>>) dst(%dma_wait3A_176 : memref<128x128xf32, #tpu.memory_space<hbm>>)
      tpu.yield
    }) : () -> ()
    %dma_start3A_71 = arith.constant 640 : i32
    %dma_start3A_72 = tpu.memref_slice %arg5[%dma_start3A_71] : memref<1536xi32, #tpu.memory_space<vmem>> -> memref<128xi32, #tpu.memory_space<vmem>>
    %dma_start3A_73 = arith.constant 0 : i32
    %dma_start3A_74 = arith.constant 0 : i32
    %dma_start3A_75 = tpu.memref_slice %arg2[%dma_start3A_73, %dma_start3A_74] : memref<100000x128xf32, #tpu.memory_space<hbm>> -> memref<100000x128xf32, #tpu.memory_space<hbm>>
    tpu.enqueue_indirect_dma source(%dma_start3A_75 : memref<100000x128xf32, #tpu.memory_space<hbm>>) target(%arg6 : memref<128x128xf32, #tpu.memory_space<vmem>>) offsets(%dma_start3A_72 : memref<128xi32, #tpu.memory_space<vmem>>) semaphore(%arg7 : memref<!tpu.dma_semaphore, #tpu.memory_space<semaphore_mem>>)
    %dma_wait3A_76 = arith.constant 640 : i32
    %dma_wait3A_77 = tpu.memref_slice %arg5[%dma_wait3A_76] : memref<1536xi32, #tpu.memory_space<vmem>> -> memref<128xi32, #tpu.memory_space<vmem>>
    %dma_wait3A_78 = arith.constant 0 : i32
    %dma_wait3A_79 = arith.constant 0 : i32
    %dma_wait3A_80 = tpu.memref_slice %arg2[%dma_wait3A_78, %dma_wait3A_79] : memref<100000x128xf32, #tpu.memory_space<hbm>> -> memref<100000x128xf32, #tpu.memory_space<hbm>>
    tpu.wait_indirect_dma semaphore(%arg7 : memref<!tpu.dma_semaphore, #tpu.memory_space<semaphore_mem>>) src(%dma_wait3A_80 : memref<100000x128xf32, #tpu.memory_space<hbm>>) dst(%arg6 : memref<128x128xf32, #tpu.memory_space<vmem>>)
    %mul3A_81 = arith.constant 1536 : i32
    %mul3A_82 = arith.muli %add3A, %mul3A_81 : i32
    %add3A_83 = arith.constant 640 : i32
    %add3A_84 = arith.addi %mul3A_82, %add3A_83 : i32
    "tpu.region"() ({
      %run_scoped3A = tpu.sem_alloc : memref<!tpu.dma_semaphore, #tpu.memory_space<semaphore_mem>>
      %dma_start3A_169 = arith.constant 0 : i32
      %dma_start3A_170 = tpu.memref_slice %arg4[%add3A_84, %dma_start3A_169] : memref<49152x128xf32, #tpu.memory_space<hbm>> -> memref<128x128xf32, #tpu.memory_space<hbm>>
      %dma_start3A_171 = arith.constant 0 : i32
      %dma_start3A_172 = tpu.memref_slice %arg4[%add3A_84, %dma_start3A_171] : memref<49152x128xf32, #tpu.memory_space<hbm>> -> memref<128x128xf32, #tpu.memory_space<hbm>>
      tpu.enqueue_dma source(%arg6 : memref<128x128xf32, #tpu.memory_space<vmem>>) target(%dma_start3A_172 : memref<128x128xf32, #tpu.memory_space<hbm>>) target_semaphore(%run_scoped3A : memref<!tpu.dma_semaphore, #tpu.memory_space<semaphore_mem>>)
      %dma_wait3A_173 = arith.constant 0 : i32
      %dma_wait3A_174 = tpu.memref_slice %arg4[%add3A_84, %dma_wait3A_173] : memref<49152x128xf32, #tpu.memory_space<hbm>> -> memref<128x128xf32, #tpu.memory_space<hbm>>
      %dma_wait3A_175 = arith.constant 0 : i32
      %dma_wait3A_176 = tpu.memref_slice %arg4[%add3A_84, %dma_wait3A_175] : memref<49152x128xf32, #tpu.memory_space<hbm>> -> memref<128x128xf32, #tpu.memory_space<hbm>>
      tpu.wait_dma2 semaphore(%run_scoped3A : memref<!tpu.dma_semaphore, #tpu.memory_space<semaphore_mem>>) src(%arg6 : memref<128x128xf32, #tpu.memory_space<vmem>>) dst(%dma_wait3A_176 : memref<128x128xf32, #tpu.memory_space<hbm>>)
      tpu.yield
    }) : () -> ()
    %dma_start3A_85 = arith.constant 768 : i32
    %dma_start3A_86 = tpu.memref_slice %arg5[%dma_start3A_85] : memref<1536xi32, #tpu.memory_space<vmem>> -> memref<128xi32, #tpu.memory_space<vmem>>
    %dma_start3A_87 = arith.constant 0 : i32
    %dma_start3A_88 = arith.constant 0 : i32
    %dma_start3A_89 = tpu.memref_slice %arg2[%dma_start3A_87, %dma_start3A_88] : memref<100000x128xf32, #tpu.memory_space<hbm>> -> memref<100000x128xf32, #tpu.memory_space<hbm>>
    tpu.enqueue_indirect_dma source(%dma_start3A_89 : memref<100000x128xf32, #tpu.memory_space<hbm>>) target(%arg6 : memref<128x128xf32, #tpu.memory_space<vmem>>) offsets(%dma_start3A_86 : memref<128xi32, #tpu.memory_space<vmem>>) semaphore(%arg7 : memref<!tpu.dma_semaphore, #tpu.memory_space<semaphore_mem>>)
    %dma_wait3A_90 = arith.constant 768 : i32
    %dma_wait3A_91 = tpu.memref_slice %arg5[%dma_wait3A_90] : memref<1536xi32, #tpu.memory_space<vmem>> -> memref<128xi32, #tpu.memory_space<vmem>>
    %dma_wait3A_92 = arith.constant 0 : i32
    %dma_wait3A_93 = arith.constant 0 : i32
    %dma_wait3A_94 = tpu.memref_slice %arg2[%dma_wait3A_92, %dma_wait3A_93] : memref<100000x128xf32, #tpu.memory_space<hbm>> -> memref<100000x128xf32, #tpu.memory_space<hbm>>
    tpu.wait_indirect_dma semaphore(%arg7 : memref<!tpu.dma_semaphore, #tpu.memory_space<semaphore_mem>>) src(%dma_wait3A_94 : memref<100000x128xf32, #tpu.memory_space<hbm>>) dst(%arg6 : memref<128x128xf32, #tpu.memory_space<vmem>>)
    %mul3A_95 = arith.constant 1536 : i32
    %mul3A_96 = arith.muli %add3A, %mul3A_95 : i32
    %add3A_97 = arith.constant 768 : i32
    %add3A_98 = arith.addi %mul3A_96, %add3A_97 : i32
    "tpu.region"() ({
      %run_scoped3A = tpu.sem_alloc : memref<!tpu.dma_semaphore, #tpu.memory_space<semaphore_mem>>
      %dma_start3A_169 = arith.constant 0 : i32
      %dma_start3A_170 = tpu.memref_slice %arg4[%add3A_98, %dma_start3A_169] : memref<49152x128xf32, #tpu.memory_space<hbm>> -> memref<128x128xf32, #tpu.memory_space<hbm>>
      %dma_start3A_171 = arith.constant 0 : i32
      %dma_start3A_172 = tpu.memref_slice %arg4[%add3A_98, %dma_start3A_171] : memref<49152x128xf32, #tpu.memory_space<hbm>> -> memref<128x128xf32, #tpu.memory_space<hbm>>
      tpu.enqueue_dma source(%arg6 : memref<128x128xf32, #tpu.memory_space<vmem>>) target(%dma_start3A_172 : memref<128x128xf32, #tpu.memory_space<hbm>>) target_semaphore(%run_scoped3A : memref<!tpu.dma_semaphore, #tpu.memory_space<semaphore_mem>>)
      %dma_wait3A_173 = arith.constant 0 : i32
      %dma_wait3A_174 = tpu.memref_slice %arg4[%add3A_98, %dma_wait3A_173] : memref<49152x128xf32, #tpu.memory_space<hbm>> -> memref<128x128xf32, #tpu.memory_space<hbm>>
      %dma_wait3A_175 = arith.constant 0 : i32
      %dma_wait3A_176 = tpu.memref_slice %arg4[%add3A_98, %dma_wait3A_175] : memref<49152x128xf32, #tpu.memory_space<hbm>> -> memref<128x128xf32, #tpu.memory_space<hbm>>
      tpu.wait_dma2 semaphore(%run_scoped3A : memref<!tpu.dma_semaphore, #tpu.memory_space<semaphore_mem>>) src(%arg6 : memref<128x128xf32, #tpu.memory_space<vmem>>) dst(%dma_wait3A_176 : memref<128x128xf32, #tpu.memory_space<hbm>>)
      tpu.yield
    }) : () -> ()
    %dma_start3A_99 = arith.constant 896 : i32
    %dma_start3A_100 = tpu.memref_slice %arg5[%dma_start3A_99] : memref<1536xi32, #tpu.memory_space<vmem>> -> memref<128xi32, #tpu.memory_space<vmem>>
    %dma_start3A_101 = arith.constant 0 : i32
    %dma_start3A_102 = arith.constant 0 : i32
    %dma_start3A_103 = tpu.memref_slice %arg2[%dma_start3A_101, %dma_start3A_102] : memref<100000x128xf32, #tpu.memory_space<hbm>> -> memref<100000x128xf32, #tpu.memory_space<hbm>>
    tpu.enqueue_indirect_dma source(%dma_start3A_103 : memref<100000x128xf32, #tpu.memory_space<hbm>>) target(%arg6 : memref<128x128xf32, #tpu.memory_space<vmem>>) offsets(%dma_start3A_100 : memref<128xi32, #tpu.memory_space<vmem>>) semaphore(%arg7 : memref<!tpu.dma_semaphore, #tpu.memory_space<semaphore_mem>>)
    %dma_wait3A_104 = arith.constant 896 : i32
    %dma_wait3A_105 = tpu.memref_slice %arg5[%dma_wait3A_104] : memref<1536xi32, #tpu.memory_space<vmem>> -> memref<128xi32, #tpu.memory_space<vmem>>
    %dma_wait3A_106 = arith.constant 0 : i32
    %dma_wait3A_107 = arith.constant 0 : i32
    %dma_wait3A_108 = tpu.memref_slice %arg2[%dma_wait3A_106, %dma_wait3A_107] : memref<100000x128xf32, #tpu.memory_space<hbm>> -> memref<100000x128xf32, #tpu.memory_space<hbm>>
    tpu.wait_indirect_dma semaphore(%arg7 : memref<!tpu.dma_semaphore, #tpu.memory_space<semaphore_mem>>) src(%dma_wait3A_108 : memref<100000x128xf32, #tpu.memory_space<hbm>>) dst(%arg6 : memref<128x128xf32, #tpu.memory_space<vmem>>)
    %mul3A_109 = arith.constant 1536 : i32
    %mul3A_110 = arith.muli %add3A, %mul3A_109 : i32
    %add3A_111 = arith.constant 896 : i32
    %add3A_112 = arith.addi %mul3A_110, %add3A_111 : i32
    "tpu.region"() ({
      %run_scoped3A = tpu.sem_alloc : memref<!tpu.dma_semaphore, #tpu.memory_space<semaphore_mem>>
      %dma_start3A_169 = arith.constant 0 : i32
      %dma_start3A_170 = tpu.memref_slice %arg4[%add3A_112, %dma_start3A_169] : memref<49152x128xf32, #tpu.memory_space<hbm>> -> memref<128x128xf32, #tpu.memory_space<hbm>>
      %dma_start3A_171 = arith.constant 0 : i32
      %dma_start3A_172 = tpu.memref_slice %arg4[%add3A_112, %dma_start3A_171] : memref<49152x128xf32, #tpu.memory_space<hbm>> -> memref<128x128xf32, #tpu.memory_space<hbm>>
      tpu.enqueue_dma source(%arg6 : memref<128x128xf32, #tpu.memory_space<vmem>>) target(%dma_start3A_172 : memref<128x128xf32, #tpu.memory_space<hbm>>) target_semaphore(%run_scoped3A : memref<!tpu.dma_semaphore, #tpu.memory_space<semaphore_mem>>)
      %dma_wait3A_173 = arith.constant 0 : i32
      %dma_wait3A_174 = tpu.memref_slice %arg4[%add3A_112, %dma_wait3A_173] : memref<49152x128xf32, #tpu.memory_space<hbm>> -> memref<128x128xf32, #tpu.memory_space<hbm>>
      %dma_wait3A_175 = arith.constant 0 : i32
      %dma_wait3A_176 = tpu.memref_slice %arg4[%add3A_112, %dma_wait3A_175] : memref<49152x128xf32, #tpu.memory_space<hbm>> -> memref<128x128xf32, #tpu.memory_space<hbm>>
      tpu.wait_dma2 semaphore(%run_scoped3A : memref<!tpu.dma_semaphore, #tpu.memory_space<semaphore_mem>>) src(%arg6 : memref<128x128xf32, #tpu.memory_space<vmem>>) dst(%dma_wait3A_176 : memref<128x128xf32, #tpu.memory_space<hbm>>)
      tpu.yield
    }) : () -> ()
    %dma_start3A_113 = arith.constant 1024 : i32
    %dma_start3A_114 = tpu.memref_slice %arg5[%dma_start3A_113] : memref<1536xi32, #tpu.memory_space<vmem>> -> memref<128xi32, #tpu.memory_space<vmem>>
    %dma_start3A_115 = arith.constant 0 : i32
    %dma_start3A_116 = arith.constant 0 : i32
    %dma_start3A_117 = tpu.memref_slice %arg2[%dma_start3A_115, %dma_start3A_116] : memref<100000x128xf32, #tpu.memory_space<hbm>> -> memref<100000x128xf32, #tpu.memory_space<hbm>>
    tpu.enqueue_indirect_dma source(%dma_start3A_117 : memref<100000x128xf32, #tpu.memory_space<hbm>>) target(%arg6 : memref<128x128xf32, #tpu.memory_space<vmem>>) offsets(%dma_start3A_114 : memref<128xi32, #tpu.memory_space<vmem>>) semaphore(%arg7 : memref<!tpu.dma_semaphore, #tpu.memory_space<semaphore_mem>>)
    %dma_wait3A_118 = arith.constant 1024 : i32
    %dma_wait3A_119 = tpu.memref_slice %arg5[%dma_wait3A_118] : memref<1536xi32, #tpu.memory_space<vmem>> -> memref<128xi32, #tpu.memory_space<vmem>>
    %dma_wait3A_120 = arith.constant 0 : i32
    %dma_wait3A_121 = arith.constant 0 : i32
    %dma_wait3A_122 = tpu.memref_slice %arg2[%dma_wait3A_120, %dma_wait3A_121] : memref<100000x128xf32, #tpu.memory_space<hbm>> -> memref<100000x128xf32, #tpu.memory_space<hbm>>
    tpu.wait_indirect_dma semaphore(%arg7 : memref<!tpu.dma_semaphore, #tpu.memory_space<semaphore_mem>>) src(%dma_wait3A_122 : memref<100000x128xf32, #tpu.memory_space<hbm>>) dst(%arg6 : memref<128x128xf32, #tpu.memory_space<vmem>>)
    %mul3A_123 = arith.constant 1536 : i32
    %mul3A_124 = arith.muli %add3A, %mul3A_123 : i32
    %add3A_125 = arith.constant 1024 : i32
    %add3A_126 = arith.addi %mul3A_124, %add3A_125 : i32
    "tpu.region"() ({
      %run_scoped3A = tpu.sem_alloc : memref<!tpu.dma_semaphore, #tpu.memory_space<semaphore_mem>>
      %dma_start3A_169 = arith.constant 0 : i32
      %dma_start3A_170 = tpu.memref_slice %arg4[%add3A_126, %dma_start3A_169] : memref<49152x128xf32, #tpu.memory_space<hbm>> -> memref<128x128xf32, #tpu.memory_space<hbm>>
      %dma_start3A_171 = arith.constant 0 : i32
      %dma_start3A_172 = tpu.memref_slice %arg4[%add3A_126, %dma_start3A_171] : memref<49152x128xf32, #tpu.memory_space<hbm>> -> memref<128x128xf32, #tpu.memory_space<hbm>>
      tpu.enqueue_dma source(%arg6 : memref<128x128xf32, #tpu.memory_space<vmem>>) target(%dma_start3A_172 : memref<128x128xf32, #tpu.memory_space<hbm>>) target_semaphore(%run_scoped3A : memref<!tpu.dma_semaphore, #tpu.memory_space<semaphore_mem>>)
      %dma_wait3A_173 = arith.constant 0 : i32
      %dma_wait3A_174 = tpu.memref_slice %arg4[%add3A_126, %dma_wait3A_173] : memref<49152x128xf32, #tpu.memory_space<hbm>> -> memref<128x128xf32, #tpu.memory_space<hbm>>
      %dma_wait3A_175 = arith.constant 0 : i32
      %dma_wait3A_176 = tpu.memref_slice %arg4[%add3A_126, %dma_wait3A_175] : memref<49152x128xf32, #tpu.memory_space<hbm>> -> memref<128x128xf32, #tpu.memory_space<hbm>>
      tpu.wait_dma2 semaphore(%run_scoped3A : memref<!tpu.dma_semaphore, #tpu.memory_space<semaphore_mem>>) src(%arg6 : memref<128x128xf32, #tpu.memory_space<vmem>>) dst(%dma_wait3A_176 : memref<128x128xf32, #tpu.memory_space<hbm>>)
      tpu.yield
    }) : () -> ()
    %dma_start3A_127 = arith.constant 1152 : i32
    %dma_start3A_128 = tpu.memref_slice %arg5[%dma_start3A_127] : memref<1536xi32, #tpu.memory_space<vmem>> -> memref<128xi32, #tpu.memory_space<vmem>>
    %dma_start3A_129 = arith.constant 0 : i32
    %dma_start3A_130 = arith.constant 0 : i32
    %dma_start3A_131 = tpu.memref_slice %arg2[%dma_start3A_129, %dma_start3A_130] : memref<100000x128xf32, #tpu.memory_space<hbm>> -> memref<100000x128xf32, #tpu.memory_space<hbm>>
    tpu.enqueue_indirect_dma source(%dma_start3A_131 : memref<100000x128xf32, #tpu.memory_space<hbm>>) target(%arg6 : memref<128x128xf32, #tpu.memory_space<vmem>>) offsets(%dma_start3A_128 : memref<128xi32, #tpu.memory_space<vmem>>) semaphore(%arg7 : memref<!tpu.dma_semaphore, #tpu.memory_space<semaphore_mem>>)
    %dma_wait3A_132 = arith.constant 1152 : i32
    %dma_wait3A_133 = tpu.memref_slice %arg5[%dma_wait3A_132] : memref<1536xi32, #tpu.memory_space<vmem>> -> memref<128xi32, #tpu.memory_space<vmem>>
    %dma_wait3A_134 = arith.constant 0 : i32
    %dma_wait3A_135 = arith.constant 0 : i32
    %dma_wait3A_136 = tpu.memref_slice %arg2[%dma_wait3A_134, %dma_wait3A_135] : memref<100000x128xf32, #tpu.memory_space<hbm>> -> memref<100000x128xf32, #tpu.memory_space<hbm>>
    tpu.wait_indirect_dma semaphore(%arg7 : memref<!tpu.dma_semaphore, #tpu.memory_space<semaphore_mem>>) src(%dma_wait3A_136 : memref<100000x128xf32, #tpu.memory_space<hbm>>) dst(%arg6 : memref<128x128xf32, #tpu.memory_space<vmem>>)
    %mul3A_137 = arith.constant 1536 : i32
    %mul3A_138 = arith.muli %add3A, %mul3A_137 : i32
    %add3A_139 = arith.constant 1152 : i32
    %add3A_140 = arith.addi %mul3A_138, %add3A_139 : i32
    "tpu.region"() ({
      %run_scoped3A = tpu.sem_alloc : memref<!tpu.dma_semaphore, #tpu.memory_space<semaphore_mem>>
      %dma_start3A_169 = arith.constant 0 : i32
      %dma_start3A_170 = tpu.memref_slice %arg4[%add3A_140, %dma_start3A_169] : memref<49152x128xf32, #tpu.memory_space<hbm>> -> memref<128x128xf32, #tpu.memory_space<hbm>>
      %dma_start3A_171 = arith.constant 0 : i32
      %dma_start3A_172 = tpu.memref_slice %arg4[%add3A_140, %dma_start3A_171] : memref<49152x128xf32, #tpu.memory_space<hbm>> -> memref<128x128xf32, #tpu.memory_space<hbm>>
      tpu.enqueue_dma source(%arg6 : memref<128x128xf32, #tpu.memory_space<vmem>>) target(%dma_start3A_172 : memref<128x128xf32, #tpu.memory_space<hbm>>) target_semaphore(%run_scoped3A : memref<!tpu.dma_semaphore, #tpu.memory_space<semaphore_mem>>)
      %dma_wait3A_173 = arith.constant 0 : i32
      %dma_wait3A_174 = tpu.memref_slice %arg4[%add3A_140, %dma_wait3A_173] : memref<49152x128xf32, #tpu.memory_space<hbm>> -> memref<128x128xf32, #tpu.memory_space<hbm>>
      %dma_wait3A_175 = arith.constant 0 : i32
      %dma_wait3A_176 = tpu.memref_slice %arg4[%add3A_140, %dma_wait3A_175] : memref<49152x128xf32, #tpu.memory_space<hbm>> -> memref<128x128xf32, #tpu.memory_space<hbm>>
      tpu.wait_dma2 semaphore(%run_scoped3A : memref<!tpu.dma_semaphore, #tpu.memory_space<semaphore_mem>>) src(%arg6 : memref<128x128xf32, #tpu.memory_space<vmem>>) dst(%dma_wait3A_176 : memref<128x128xf32, #tpu.memory_space<hbm>>)
      tpu.yield
    }) : () -> ()
    %dma_start3A_141 = arith.constant 1280 : i32
    %dma_start3A_142 = tpu.memref_slice %arg5[%dma_start3A_141] : memref<1536xi32, #tpu.memory_space<vmem>> -> memref<128xi32, #tpu.memory_space<vmem>>
    %dma_start3A_143 = arith.constant 0 : i32
    %dma_start3A_144 = arith.constant 0 : i32
    %dma_start3A_145 = tpu.memref_slice %arg2[%dma_start3A_143, %dma_start3A_144] : memref<100000x128xf32, #tpu.memory_space<hbm>> -> memref<100000x128xf32, #tpu.memory_space<hbm>>
    tpu.enqueue_indirect_dma source(%dma_start3A_145 : memref<100000x128xf32, #tpu.memory_space<hbm>>) target(%arg6 : memref<128x128xf32, #tpu.memory_space<vmem>>) offsets(%dma_start3A_142 : memref<128xi32, #tpu.memory_space<vmem>>) semaphore(%arg7 : memref<!tpu.dma_semaphore, #tpu.memory_space<semaphore_mem>>)
    %dma_wait3A_146 = arith.constant 1280 : i32
    %dma_wait3A_147 = tpu.memref_slice %arg5[%dma_wait3A_146] : memref<1536xi32, #tpu.memory_space<vmem>> -> memref<128xi32, #tpu.memory_space<vmem>>
    %dma_wait3A_148 = arith.constant 0 : i32
    %dma_wait3A_149 = arith.constant 0 : i32
    %dma_wait3A_150 = tpu.memref_slice %arg2[%dma_wait3A_148, %dma_wait3A_149] : memref<100000x128xf32, #tpu.memory_space<hbm>> -> memref<100000x128xf32, #tpu.memory_space<hbm>>
    tpu.wait_indirect_dma semaphore(%arg7 : memref<!tpu.dma_semaphore, #tpu.memory_space<semaphore_mem>>) src(%dma_wait3A_150 : memref<100000x128xf32, #tpu.memory_space<hbm>>) dst(%arg6 : memref<128x128xf32, #tpu.memory_space<vmem>>)
    %mul3A_151 = arith.constant 1536 : i32
    %mul3A_152 = arith.muli %add3A, %mul3A_151 : i32
    %add3A_153 = arith.constant 1280 : i32
    %add3A_154 = arith.addi %mul3A_152, %add3A_153 : i32
    "tpu.region"() ({
      %run_scoped3A = tpu.sem_alloc : memref<!tpu.dma_semaphore, #tpu.memory_space<semaphore_mem>>
      %dma_start3A_169 = arith.constant 0 : i32
      %dma_start3A_170 = tpu.memref_slice %arg4[%add3A_154, %dma_start3A_169] : memref<49152x128xf32, #tpu.memory_space<hbm>> -> memref<128x128xf32, #tpu.memory_space<hbm>>
      %dma_start3A_171 = arith.constant 0 : i32
      %dma_start3A_172 = tpu.memref_slice %arg4[%add3A_154, %dma_start3A_171] : memref<49152x128xf32, #tpu.memory_space<hbm>> -> memref<128x128xf32, #tpu.memory_space<hbm>>
      tpu.enqueue_dma source(%arg6 : memref<128x128xf32, #tpu.memory_space<vmem>>) target(%dma_start3A_172 : memref<128x128xf32, #tpu.memory_space<hbm>>) target_semaphore(%run_scoped3A : memref<!tpu.dma_semaphore, #tpu.memory_space<semaphore_mem>>)
      %dma_wait3A_173 = arith.constant 0 : i32
      %dma_wait3A_174 = tpu.memref_slice %arg4[%add3A_154, %dma_wait3A_173] : memref<49152x128xf32, #tpu.memory_space<hbm>> -> memref<128x128xf32, #tpu.memory_space<hbm>>
      %dma_wait3A_175 = arith.constant 0 : i32
      %dma_wait3A_176 = tpu.memref_slice %arg4[%add3A_154, %dma_wait3A_175] : memref<49152x128xf32, #tpu.memory_space<hbm>> -> memref<128x128xf32, #tpu.memory_space<hbm>>
      tpu.wait_dma2 semaphore(%run_scoped3A : memref<!tpu.dma_semaphore, #tpu.memory_space<semaphore_mem>>) src(%arg6 : memref<128x128xf32, #tpu.memory_space<vmem>>) dst(%dma_wait3A_176 : memref<128x128xf32, #tpu.memory_space<hbm>>)
      tpu.yield
    }) : () -> ()
    %dma_start3A_155 = arith.constant 1408 : i32
    %dma_start3A_156 = tpu.memref_slice %arg5[%dma_start3A_155] : memref<1536xi32, #tpu.memory_space<vmem>> -> memref<128xi32, #tpu.memory_space<vmem>>
    %dma_start3A_157 = arith.constant 0 : i32
    %dma_start3A_158 = arith.constant 0 : i32
    %dma_start3A_159 = tpu.memref_slice %arg2[%dma_start3A_157, %dma_start3A_158] : memref<100000x128xf32, #tpu.memory_space<hbm>> -> memref<100000x128xf32, #tpu.memory_space<hbm>>
    tpu.enqueue_indirect_dma source(%dma_start3A_159 : memref<100000x128xf32, #tpu.memory_space<hbm>>) target(%arg6 : memref<128x128xf32, #tpu.memory_space<vmem>>) offsets(%dma_start3A_156 : memref<128xi32, #tpu.memory_space<vmem>>) semaphore(%arg7 : memref<!tpu.dma_semaphore, #tpu.memory_space<semaphore_mem>>)
    %dma_wait3A_160 = arith.constant 1408 : i32
    %dma_wait3A_161 = tpu.memref_slice %arg5[%dma_wait3A_160] : memref<1536xi32, #tpu.memory_space<vmem>> -> memref<128xi32, #tpu.memory_space<vmem>>
    %dma_wait3A_162 = arith.constant 0 : i32
    %dma_wait3A_163 = arith.constant 0 : i32
    %dma_wait3A_164 = tpu.memref_slice %arg2[%dma_wait3A_162, %dma_wait3A_163] : memref<100000x128xf32, #tpu.memory_space<hbm>> -> memref<100000x128xf32, #tpu.memory_space<hbm>>
    tpu.wait_indirect_dma semaphore(%arg7 : memref<!tpu.dma_semaphore, #tpu.memory_space<semaphore_mem>>) src(%dma_wait3A_164 : memref<100000x128xf32, #tpu.memory_space<hbm>>) dst(%arg6 : memref<128x128xf32, #tpu.memory_space<vmem>>)
    %mul3A_165 = arith.constant 1536 : i32
    %mul3A_166 = arith.muli %add3A, %mul3A_165 : i32
    %add3A_167 = arith.constant 1408 : i32
    %add3A_168 = arith.addi %mul3A_166, %add3A_167 : i32
    "tpu.region"() ({
      %run_scoped3A = tpu.sem_alloc : memref<!tpu.dma_semaphore, #tpu.memory_space<semaphore_mem>>
      %dma_start3A_169 = arith.constant 0 : i32
      %dma_start3A_170 = tpu.memref_slice %arg4[%add3A_168, %dma_start3A_169] : memref<49152x128xf32, #tpu.memory_space<hbm>> -> memref<128x128xf32, #tpu.memory_space<hbm>>
      %dma_start3A_171 = arith.constant 0 : i32
      %dma_start3A_172 = tpu.memref_slice %arg4[%add3A_168, %dma_start3A_171] : memref<49152x128xf32, #tpu.memory_space<hbm>> -> memref<128x128xf32, #tpu.memory_space<hbm>>
      tpu.enqueue_dma source(%arg6 : memref<128x128xf32, #tpu.memory_space<vmem>>) target(%dma_start3A_172 : memref<128x128xf32, #tpu.memory_space<hbm>>) target_semaphore(%run_scoped3A : memref<!tpu.dma_semaphore, #tpu.memory_space<semaphore_mem>>)
      %dma_wait3A_173 = arith.constant 0 : i32
      %dma_wait3A_174 = tpu.memref_slice %arg4[%add3A_168, %dma_wait3A_173] : memref<49152x128xf32, #tpu.memory_space<hbm>> -> memref<128x128xf32, #tpu.memory_space<hbm>>
      %dma_wait3A_175 = arith.constant 0 : i32
      %dma_wait3A_176 = tpu.memref_slice %arg4[%add3A_168, %dma_wait3A_175] : memref<49152x128xf32, #tpu.memory_space<hbm>> -> memref<128x128xf32, #tpu.memory_space<hbm>>
      tpu.wait_dma2 semaphore(%run_scoped3A : memref<!tpu.dma_semaphore, #tpu.memory_space<semaphore_mem>>) src(%arg6 : memref<128x128xf32, #tpu.memory_space<vmem>>) dst(%dma_wait3A_176 : memref<128x128xf32, #tpu.memory_space<hbm>>)
      tpu.yield
    }) : () -> ()
    return
  }
}

module attributes {stable_mosaic.version = 14 : i64} {
  func.func @_score_kernel(%arg0: i32, %arg1: memref<512x128xf32, #tpu.memory_space<vmem>>, %arg2: memref<512x128xf32, #tpu.memory_space<vmem>>, %arg3: memref<512x128xf32, #tpu.memory_space<vmem>>, %arg4: memref<512x1xi32, #tpu.memory_space<vmem>>, %arg5: memref<1x1x2xi32, #tpu.memory_space<vmem>>, %arg6: memref<128x2048xbf16, #tpu.memory_space<vmem>>, %arg7: memref<32x128xf32, #tpu.memory_space<vmem>>, %arg8: memref<1x1xf32, #tpu.memory_space<vmem>>, %arg9: memref<1x1xf32, #tpu.memory_space<vmem>>, %arg10: memref<1x1xf32, #tpu.memory_space<vmem>>, %arg11: memref<1536x128xf32, #tpu.memory_space<vmem>>) attributes {dimension_semantics = [#tpu.dimension_semantics<arbitrary>], iteration_bounds = array<i64: 32>, scalar_prefetch = 0 : i64, scratch_operands = 1 : i64, tpu.core_type = #tpu.core_type<tc>, window_params = [{transform_indices = @transform_0, window_bounds = array<i64: 512, 128>}, {transform_indices = @transform_1, window_bounds = array<i64: 512, 128>}, {transform_indices = @transform_2, window_bounds = array<i64: 512, 128>}, {transform_indices = @transform_3, window_bounds = array<i64: 512, 1>}, {transform_indices = @transform_4, window_bounds = array<i64: 1, 1, 2>}, {pipeline_mode = #tpu.pipeline_mode<synchronous>, transform_indices = @transform_5, window_bounds = array<i64: 128, 2048>}, {pipeline_mode = #tpu.pipeline_mode<synchronous>, transform_indices = @transform_6, window_bounds = array<i64: 32, 128>}, {pipeline_mode = #tpu.pipeline_mode<synchronous>, transform_indices = @transform_7, window_bounds = array<i64: 1, 1>}, {pipeline_mode = #tpu.pipeline_mode<synchronous>, transform_indices = @transform_8, window_bounds = array<i64: 1, 1>}, {pipeline_mode = #tpu.pipeline_mode<synchronous>, transform_indices = @transform_9, window_bounds = array<i64: 1, 1>}]} {
    %get3A = arith.constant 0 : index
    %get3A_0 = arith.constant 0 : index
    %get3A_1 = vector.load %arg1[%get3A, %get3A_0] : memref<512x128xf32, #tpu.memory_space<vmem>>, vector<512x128xf32>
    %get3A_2 = arith.constant 0 : index
    %get3A_3 = arith.constant 0 : index
    %get3A_4 = vector.load %arg2[%get3A_2, %get3A_3] : memref<512x128xf32, #tpu.memory_space<vmem>>, vector<512x128xf32>
    %get3A_5 = arith.constant 0 : index
    %get3A_6 = arith.constant 0 : index
    %get3A_7 = vector.load %arg3[%get3A_5, %get3A_6] : memref<512x128xf32, #tpu.memory_space<vmem>>, vector<512x128xf32>
    %concatenate3A = tpu.concatenate %get3A_1, %get3A_4, %get3A_7 in 0 : vector<512x128xf32>, vector<512x128xf32>, vector<512x128xf32> -> vector<1536x128xf32>
    %convert_element_type3A = arith.truncf %concatenate3A : vector<1536x128xf32> to vector<1536x128xbf16>
    %get3A_8 = arith.constant 0 : index
    %get3A_9 = arith.constant 0 : index
    %get3A_10 = vector.load %arg4[%get3A_8, %get3A_9] : memref<512x1xi32, #tpu.memory_space<vmem>>, vector<512x1xi32>
    %concatenate3A_11 = tpu.concatenate %get3A_10, %get3A_10, %get3A_10 in 0 : vector<512x1xi32>, vector<512x1xi32>, vector<512x1xi32> -> vector<1536x1xi32>
    %iota3A = tpu.iota {dimensions = array<i32: 1>} : vector<1536x128xi32>
    %ge3A = arith.constant 64 : i32
    %ge3A_12 = vector.broadcast %ge3A : i32 to vector<1536x128xi32>
    %ge3A_13 = arith.cmpi sge, %iota3A, %ge3A_12 : vector<1536x128xi32>
    %convert_element_type3A_14 = arith.extui %ge3A_13 : vector<1536x128xi1> to vector<1536x128xi32>
    %get3A_15 = arith.constant 0 : index
    %get3A_16 = arith.constant 0 : index
    %get3A_17 = arith.constant 0 : index
    %get3A_18 = vector.load %arg5[%get3A_15, %get3A_16, %get3A_17] : memref<1x1x2xi32, #tpu.memory_space<vmem>>, vector<1x1x1xi32>
    %get3A_19 = vector.extract %get3A_18[0, 0, 0] : i32 from vector<1x1x1xi32>
    %get3A_20 = arith.constant 0 : index
    %get3A_21 = arith.constant 0 : index
    %get3A_22 = arith.constant 1 : index
    %get3A_23 = vector.load %arg5[%get3A_20, %get3A_21, %get3A_22] : memref<1x1x2xi32, #tpu.memory_space<vmem>>, vector<1x1x1xi32>
    %get3A_24 = vector.extract %get3A_23[0, 0, 0] : i32 from vector<1x1x1xi32>
    %broadcast_in_dim3A = arith.constant 0.000000e+00 : f32
    %broadcast_in_dim3A_25 = vector.broadcast %broadcast_in_dim3A : f32 to vector<1536x128xf32>
    %swap3A = arith.constant 0 : index
    %swap3A_26 = arith.constant 0 : index
    %swap3A_27 = vector.load %arg11[%swap3A, %swap3A_26] : memref<1536x128xf32, #tpu.memory_space<vmem>>, vector<1536x128xf32>
    tpu.vector_store %arg11[%swap3A, %swap3A_26], %broadcast_in_dim3A_25 {strides = array<i32>} : memref<1536x128xf32, #tpu.memory_space<vmem>>, vector<1536x128xf32>,
    %le3A = arith.constant 0 : i32
    %le3A_28 = arith.cmpi sle, %get3A_19, %le3A : i32
    %ge3A_29 = arith.constant 0 : i32
    %ge3A_30 = arith.cmpi sge, %get3A_24, %ge3A_29 : i32
    %and3A = arith.andi %le3A_28, %ge3A_30 : i1
    %convert_element_type3A_31 = arith.extui %and3A : i1 to i32
    %cond3A = arith.constant 0 : i32
    %cond3A_32 = arith.cmpi ne, %convert_element_type3A_31, %cond3A : i32
    scf.if %cond3A_32 {
      %get3A_278 = arith.constant 0 : index
      %get3A_279 = arith.constant 0 : index
      %get3A_280 = vector.load %arg6[%get3A_278, %get3A_279] : memref<128x2048xbf16, #tpu.memory_space<vmem>>, vector<128x128xbf16>
      %add3A_281 = arith.constant 0 : i32
      %add3A_282 = vector.broadcast %add3A_281 : i32 to vector<1536x128xi32>
      %add3A_283 = arith.addi %add3A_282, %convert_element_type3A_14 : vector<1536x128xi32>
      %eq3A_284 = vector.broadcast %concatenate3A_11 : vector<1536x1xi32> to vector<1536x128xi32>
      %eq3A_285 = arith.cmpi eq, %eq3A_284, %add3A_283 : vector<1536x128xi32>
      %dot_general3A_286 = arith.constant dense<0.000000e+00> : vector<1536x128xf32>
      %dot_general3A_287 = tpu.matmul %convert_element_type3A, %get3A_280, %dot_general3A_286 {dimension_numbers = #tpu.dot_dimension_numbers<[1], [0], [0], [1], [0, 0, 1, 1], [], []>, transpose_lhs_hint = false} : vector<1536x128xbf16>, vector<128x128xbf16>, vector<1536x128xf32> -> vector<1536x128xf32>
      %get3A_288 = arith.constant 0 : index
      %get3A_289 = arith.constant 0 : index
      %get3A_290 = vector.load %arg11[%get3A_288, %get3A_289] : memref<1536x128xf32, #tpu.memory_space<vmem>>, vector<1536x128xf32>
      %select_n3A_291 = arith.select %eq3A_285, %dot_general3A_287, %get3A_290 : vector<1536x128xi1>, vector<1536x128xf32>
      %swap3A_292 = arith.constant 0 : index
      %swap3A_293 = arith.constant 0 : index
      %swap3A_294 = vector.load %arg11[%swap3A_292, %swap3A_293] : memref<1536x128xf32, #tpu.memory_space<vmem>>, vector<1536x128xf32>
      tpu.vector_store %arg11[%swap3A_292, %swap3A_293], %select_n3A_291 {strides = array<i32>} : memref<1536x128xf32, #tpu.memory_space<vmem>>, vector<1536x128xf32>,
    } else {
    }
    %le3A_33 = arith.constant 1 : i32
    %le3A_34 = arith.cmpi sle, %get3A_19, %le3A_33 : i32
    %ge3A_35 = arith.constant 1 : i32
    %ge3A_36 = arith.cmpi sge, %get3A_24, %ge3A_35 : i32
    %and3A_37 = arith.andi %le3A_34, %ge3A_36 : i1
    %convert_element_type3A_38 = arith.extui %and3A_37 : i1 to i32
    %cond3A_39 = arith.constant 0 : i32
    %cond3A_40 = arith.cmpi ne, %convert_element_type3A_38, %cond3A_39 : i32
    scf.if %cond3A_40 {
      %get3A_278 = arith.constant 0 : index
      %get3A_279 = arith.constant 128 : index
      %get3A_280 = vector.load %arg6[%get3A_278, %get3A_279] : memref<128x2048xbf16, #tpu.memory_space<vmem>>, vector<128x128xbf16>
      %add3A_281 = arith.constant 2 : i32
      %add3A_282 = vector.broadcast %add3A_281 : i32 to vector<1536x128xi32>
      %add3A_283 = arith.addi %add3A_282, %convert_element_type3A_14 : vector<1536x128xi32>
      %eq3A_284 = vector.broadcast %concatenate3A_11 : vector<1536x1xi32> to vector<1536x128xi32>
      %eq3A_285 = arith.cmpi eq, %eq3A_284, %add3A_283 : vector<1536x128xi32>
      %dot_general3A_286 = arith.constant dense<0.000000e+00> : vector<1536x128xf32>
      %dot_general3A_287 = tpu.matmul %convert_element_type3A, %get3A_280, %dot_general3A_286 {dimension_numbers = #tpu.dot_dimension_numbers<[1], [0], [0], [1], [0, 0, 1, 1], [], []>, transpose_lhs_hint = false} : vector<1536x128xbf16>, vector<128x128xbf16>, vector<1536x128xf32> -> vector<1536x128xf32>
      %get3A_288 = arith.constant 0 : index
      %get3A_289 = arith.constant 0 : index
      %get3A_290 = vector.load %arg11[%get3A_288, %get3A_289] : memref<1536x128xf32, #tpu.memory_space<vmem>>, vector<1536x128xf32>
      %select_n3A_291 = arith.select %eq3A_285, %dot_general3A_287, %get3A_290 : vector<1536x128xi1>, vector<1536x128xf32>
      %swap3A_292 = arith.constant 0 : index
      %swap3A_293 = arith.constant 0 : index
      %swap3A_294 = vector.load %arg11[%swap3A_292, %swap3A_293] : memref<1536x128xf32, #tpu.memory_space<vmem>>, vector<1536x128xf32>
      tpu.vector_store %arg11[%swap3A_292, %swap3A_293], %select_n3A_291 {strides = array<i32>} : memref<1536x128xf32, #tpu.memory_space<vmem>>, vector<1536x128xf32>,
    } else {
    }
    %le3A_41 = arith.constant 2 : i32
    %le3A_42 = arith.cmpi sle, %get3A_19, %le3A_41 : i32
    %ge3A_43 = arith.constant 2 : i32
    %ge3A_44 = arith.cmpi sge, %get3A_24, %ge3A_43 : i32
    %and3A_45 = arith.andi %le3A_42, %ge3A_44 : i1
    %convert_element_type3A_46 = arith.extui %and3A_45 : i1 to i32
    %cond3A_47 = arith.constant 0 : i32
    %cond3A_48 = arith.cmpi ne, %convert_element_type3A_46, %cond3A_47 : i32
    scf.if %cond3A_48 {
      %get3A_278 = arith.constant 0 : index
      %get3A_279 = arith.constant 256 : index
      %get3A_280 = vector.load %arg6[%get3A_278, %get3A_279] : memref<128x2048xbf16, #tpu.memory_space<vmem>>, vector<128x128xbf16>
      %add3A_281 = arith.constant 4 : i32
      %add3A_282 = vector.broadcast %add3A_281 : i32 to vector<1536x128xi32>
      %add3A_283 = arith.addi %add3A_282, %convert_element_type3A_14 : vector<1536x128xi32>
      %eq3A_284 = vector.broadcast %concatenate3A_11 : vector<1536x1xi32> to vector<1536x128xi32>
      %eq3A_285 = arith.cmpi eq, %eq3A_284, %add3A_283 : vector<1536x128xi32>
      %dot_general3A_286 = arith.constant dense<0.000000e+00> : vector<1536x128xf32>
      %dot_general3A_287 = tpu.matmul %convert_element_type3A, %get3A_280, %dot_general3A_286 {dimension_numbers = #tpu.dot_dimension_numbers<[1], [0], [0], [1], [0, 0, 1, 1], [], []>, transpose_lhs_hint = false} : vector<1536x128xbf16>, vector<128x128xbf16>, vector<1536x128xf32> -> vector<1536x128xf32>
      %get3A_288 = arith.constant 0 : index
      %get3A_289 = arith.constant 0 : index
      %get3A_290 = vector.load %arg11[%get3A_288, %get3A_289] : memref<1536x128xf32, #tpu.memory_space<vmem>>, vector<1536x128xf32>
      %select_n3A_291 = arith.select %eq3A_285, %dot_general3A_287, %get3A_290 : vector<1536x128xi1>, vector<1536x128xf32>
      %swap3A_292 = arith.constant 0 : index
      %swap3A_293 = arith.constant 0 : index
      %swap3A_294 = vector.load %arg11[%swap3A_292, %swap3A_293] : memref<1536x128xf32, #tpu.memory_space<vmem>>, vector<1536x128xf32>
      tpu.vector_store %arg11[%swap3A_292, %swap3A_293], %select_n3A_291 {strides = array<i32>} : memref<1536x128xf32, #tpu.memory_space<vmem>>, vector<1536x128xf32>,
    } else {
    }
    %le3A_49 = arith.constant 3 : i32
    %le3A_50 = arith.cmpi sle, %get3A_19, %le3A_49 : i32
    %ge3A_51 = arith.constant 3 : i32
    %ge3A_52 = arith.cmpi sge, %get3A_24, %ge3A_51 : i32
    %and3A_53 = arith.andi %le3A_50, %ge3A_52 : i1
    %convert_element_type3A_54 = arith.extui %and3A_53 : i1 to i32
    %cond3A_55 = arith.constant 0 : i32
    %cond3A_56 = arith.cmpi ne, %convert_element_type3A_54, %cond3A_55 : i32
    scf.if %cond3A_56 {
      %get3A_278 = arith.constant 0 : index
      %get3A_279 = arith.constant 384 : index
      %get3A_280 = vector.load %arg6[%get3A_278, %get3A_279] : memref<128x2048xbf16, #tpu.memory_space<vmem>>, vector<128x128xbf16>
      %add3A_281 = arith.constant 6 : i32
      %add3A_282 = vector.broadcast %add3A_281 : i32 to vector<1536x128xi32>
      %add3A_283 = arith.addi %add3A_282, %convert_element_type3A_14 : vector<1536x128xi32>
      %eq3A_284 = vector.broadcast %concatenate3A_11 : vector<1536x1xi32> to vector<1536x128xi32>
      %eq3A_285 = arith.cmpi eq, %eq3A_284, %add3A_283 : vector<1536x128xi32>
      %dot_general3A_286 = arith.constant dense<0.000000e+00> : vector<1536x128xf32>
      %dot_general3A_287 = tpu.matmul %convert_element_type3A, %get3A_280, %dot_general3A_286 {dimension_numbers = #tpu.dot_dimension_numbers<[1], [0], [0], [1], [0, 0, 1, 1], [], []>, transpose_lhs_hint = false} : vector<1536x128xbf16>, vector<128x128xbf16>, vector<1536x128xf32> -> vector<1536x128xf32>
      %get3A_288 = arith.constant 0 : index
      %get3A_289 = arith.constant 0 : index
      %get3A_290 = vector.load %arg11[%get3A_288, %get3A_289] : memref<1536x128xf32, #tpu.memory_space<vmem>>, vector<1536x128xf32>
      %select_n3A_291 = arith.select %eq3A_285, %dot_general3A_287, %get3A_290 : vector<1536x128xi1>, vector<1536x128xf32>
      %swap3A_292 = arith.constant 0 : index
      %swap3A_293 = arith.constant 0 : index
      %swap3A_294 = vector.load %arg11[%swap3A_292, %swap3A_293] : memref<1536x128xf32, #tpu.memory_space<vmem>>, vector<1536x128xf32>
      tpu.vector_store %arg11[%swap3A_292, %swap3A_293], %select_n3A_291 {strides = array<i32>} : memref<1536x128xf32, #tpu.memory_space<vmem>>, vector<1536x128xf32>,
    } else {
    }
    %le3A_57 = arith.constant 4 : i32
    %le3A_58 = arith.cmpi sle, %get3A_19, %le3A_57 : i32
    %ge3A_59 = arith.constant 4 : i32
    %ge3A_60 = arith.cmpi sge, %get3A_24, %ge3A_59 : i32
    %and3A_61 = arith.andi %le3A_58, %ge3A_60 : i1
    %convert_element_type3A_62 = arith.extui %and3A_61 : i1 to i32
    %cond3A_63 = arith.constant 0 : i32
    %cond3A_64 = arith.cmpi ne, %convert_element_type3A_62, %cond3A_63 : i32
    scf.if %cond3A_64 {
      %get3A_278 = arith.constant 0 : index
      %get3A_279 = arith.constant 512 : index
      %get3A_280 = vector.load %arg6[%get3A_278, %get3A_279] : memref<128x2048xbf16, #tpu.memory_space<vmem>>, vector<128x128xbf16>
      %add3A_281 = arith.constant 8 : i32
      %add3A_282 = vector.broadcast %add3A_281 : i32 to vector<1536x128xi32>
      %add3A_283 = arith.addi %add3A_282, %convert_element_type3A_14 : vector<1536x128xi32>
      %eq3A_284 = vector.broadcast %concatenate3A_11 : vector<1536x1xi32> to vector<1536x128xi32>
      %eq3A_285 = arith.cmpi eq, %eq3A_284, %add3A_283 : vector<1536x128xi32>
      %dot_general3A_286 = arith.constant dense<0.000000e+00> : vector<1536x128xf32>
      %dot_general3A_287 = tpu.matmul %convert_element_type3A, %get3A_280, %dot_general3A_286 {dimension_numbers = #tpu.dot_dimension_numbers<[1], [0], [0], [1], [0, 0, 1, 1], [], []>, transpose_lhs_hint = false} : vector<1536x128xbf16>, vector<128x128xbf16>, vector<1536x128xf32> -> vector<1536x128xf32>
      %get3A_288 = arith.constant 0 : index
      %get3A_289 = arith.constant 0 : index
      %get3A_290 = vector.load %arg11[%get3A_288, %get3A_289] : memref<1536x128xf32, #tpu.memory_space<vmem>>, vector<1536x128xf32>
      %select_n3A_291 = arith.select %eq3A_285, %dot_general3A_287, %get3A_290 : vector<1536x128xi1>, vector<1536x128xf32>
      %swap3A_292 = arith.constant 0 : index
      %swap3A_293 = arith.constant 0 : index
      %swap3A_294 = vector.load %arg11[%swap3A_292, %swap3A_293] : memref<1536x128xf32, #tpu.memory_space<vmem>>, vector<1536x128xf32>
      tpu.vector_store %arg11[%swap3A_292, %swap3A_293], %select_n3A_291 {strides = array<i32>} : memref<1536x128xf32, #tpu.memory_space<vmem>>, vector<1536x128xf32>,
    } else {
    }
    %le3A_65 = arith.constant 5 : i32
    %le3A_66 = arith.cmpi sle, %get3A_19, %le3A_65 : i32
    %ge3A_67 = arith.constant 5 : i32
    %ge3A_68 = arith.cmpi sge, %get3A_24, %ge3A_67 : i32
    %and3A_69 = arith.andi %le3A_66, %ge3A_68 : i1
    %convert_element_type3A_70 = arith.extui %and3A_69 : i1 to i32
    %cond3A_71 = arith.constant 0 : i32
    %cond3A_72 = arith.cmpi ne, %convert_element_type3A_70, %cond3A_71 : i32
    scf.if %cond3A_72 {
      %get3A_278 = arith.constant 0 : index
      %get3A_279 = arith.constant 640 : index
      %get3A_280 = vector.load %arg6[%get3A_278, %get3A_279] : memref<128x2048xbf16, #tpu.memory_space<vmem>>, vector<128x128xbf16>
      %add3A_281 = arith.constant 10 : i32
      %add3A_282 = vector.broadcast %add3A_281 : i32 to vector<1536x128xi32>
      %add3A_283 = arith.addi %add3A_282, %convert_element_type3A_14 : vector<1536x128xi32>
      %eq3A_284 = vector.broadcast %concatenate3A_11 : vector<1536x1xi32> to vector<1536x128xi32>
      %eq3A_285 = arith.cmpi eq, %eq3A_284, %add3A_283 : vector<1536x128xi32>
      %dot_general3A_286 = arith.constant dense<0.000000e+00> : vector<1536x128xf32>
      %dot_general3A_287 = tpu.matmul %convert_element_type3A, %get3A_280, %dot_general3A_286 {dimension_numbers = #tpu.dot_dimension_numbers<[1], [0], [0], [1], [0, 0, 1, 1], [], []>, transpose_lhs_hint = false} : vector<1536x128xbf16>, vector<128x128xbf16>, vector<1536x128xf32> -> vector<1536x128xf32>
      %get3A_288 = arith.constant 0 : index
      %get3A_289 = arith.constant 0 : index
      %get3A_290 = vector.load %arg11[%get3A_288, %get3A_289] : memref<1536x128xf32, #tpu.memory_space<vmem>>, vector<1536x128xf32>
      %select_n3A_291 = arith.select %eq3A_285, %dot_general3A_287, %get3A_290 : vector<1536x128xi1>, vector<1536x128xf32>
      %swap3A_292 = arith.constant 0 : index
      %swap3A_293 = arith.constant 0 : index
      %swap3A_294 = vector.load %arg11[%swap3A_292, %swap3A_293] : memref<1536x128xf32, #tpu.memory_space<vmem>>, vector<1536x128xf32>
      tpu.vector_store %arg11[%swap3A_292, %swap3A_293], %select_n3A_291 {strides = array<i32>} : memref<1536x128xf32, #tpu.memory_space<vmem>>, vector<1536x128xf32>,
    } else {
    }
    %le3A_73 = arith.constant 6 : i32
    %le3A_74 = arith.cmpi sle, %get3A_19, %le3A_73 : i32
    %ge3A_75 = arith.constant 6 : i32
    %ge3A_76 = arith.cmpi sge, %get3A_24, %ge3A_75 : i32
    %and3A_77 = arith.andi %le3A_74, %ge3A_76 : i1
    %convert_element_type3A_78 = arith.extui %and3A_77 : i1 to i32
    %cond3A_79 = arith.constant 0 : i32
    %cond3A_80 = arith.cmpi ne, %convert_element_type3A_78, %cond3A_79 : i32
    scf.if %cond3A_80 {
      %get3A_278 = arith.constant 0 : index
      %get3A_279 = arith.constant 768 : index
      %get3A_280 = vector.load %arg6[%get3A_278, %get3A_279] : memref<128x2048xbf16, #tpu.memory_space<vmem>>, vector<128x128xbf16>
      %add3A_281 = arith.constant 12 : i32
      %add3A_282 = vector.broadcast %add3A_281 : i32 to vector<1536x128xi32>
      %add3A_283 = arith.addi %add3A_282, %convert_element_type3A_14 : vector<1536x128xi32>
      %eq3A_284 = vector.broadcast %concatenate3A_11 : vector<1536x1xi32> to vector<1536x128xi32>
      %eq3A_285 = arith.cmpi eq, %eq3A_284, %add3A_283 : vector<1536x128xi32>
      %dot_general3A_286 = arith.constant dense<0.000000e+00> : vector<1536x128xf32>
      %dot_general3A_287 = tpu.matmul %convert_element_type3A, %get3A_280, %dot_general3A_286 {dimension_numbers = #tpu.dot_dimension_numbers<[1], [0], [0], [1], [0, 0, 1, 1], [], []>, transpose_lhs_hint = false} : vector<1536x128xbf16>, vector<128x128xbf16>, vector<1536x128xf32> -> vector<1536x128xf32>
      %get3A_288 = arith.constant 0 : index
      %get3A_289 = arith.constant 0 : index
      %get3A_290 = vector.load %arg11[%get3A_288, %get3A_289] : memref<1536x128xf32, #tpu.memory_space<vmem>>, vector<1536x128xf32>
      %select_n3A_291 = arith.select %eq3A_285, %dot_general3A_287, %get3A_290 : vector<1536x128xi1>, vector<1536x128xf32>
      %swap3A_292 = arith.constant 0 : index
      %swap3A_293 = arith.constant 0 : index
      %swap3A_294 = vector.load %arg11[%swap3A_292, %swap3A_293] : memref<1536x128xf32, #tpu.memory_space<vmem>>, vector<1536x128xf32>
      tpu.vector_store %arg11[%swap3A_292, %swap3A_293], %select_n3A_291 {strides = array<i32>} : memref<1536x128xf32, #tpu.memory_space<vmem>>, vector<1536x128xf32>,
    } else {
    }
    %le3A_81 = arith.constant 7 : i32
    %le3A_82 = arith.cmpi sle, %get3A_19, %le3A_81 : i32
    %ge3A_83 = arith.constant 7 : i32
    %ge3A_84 = arith.cmpi sge, %get3A_24, %ge3A_83 : i32
    %and3A_85 = arith.andi %le3A_82, %ge3A_84 : i1
    %convert_element_type3A_86 = arith.extui %and3A_85 : i1 to i32
    %cond3A_87 = arith.constant 0 : i32
    %cond3A_88 = arith.cmpi ne, %convert_element_type3A_86, %cond3A_87 : i32
    scf.if %cond3A_88 {
      %get3A_278 = arith.constant 0 : index
      %get3A_279 = arith.constant 896 : index
      %get3A_280 = vector.load %arg6[%get3A_278, %get3A_279] : memref<128x2048xbf16, #tpu.memory_space<vmem>>, vector<128x128xbf16>
      %add3A_281 = arith.constant 14 : i32
      %add3A_282 = vector.broadcast %add3A_281 : i32 to vector<1536x128xi32>
      %add3A_283 = arith.addi %add3A_282, %convert_element_type3A_14 : vector<1536x128xi32>
      %eq3A_284 = vector.broadcast %concatenate3A_11 : vector<1536x1xi32> to vector<1536x128xi32>
      %eq3A_285 = arith.cmpi eq, %eq3A_284, %add3A_283 : vector<1536x128xi32>
      %dot_general3A_286 = arith.constant dense<0.000000e+00> : vector<1536x128xf32>
      %dot_general3A_287 = tpu.matmul %convert_element_type3A, %get3A_280, %dot_general3A_286 {dimension_numbers = #tpu.dot_dimension_numbers<[1], [0], [0], [1], [0, 0, 1, 1], [], []>, transpose_lhs_hint = false} : vector<1536x128xbf16>, vector<128x128xbf16>, vector<1536x128xf32> -> vector<1536x128xf32>
      %get3A_288 = arith.constant 0 : index
      %get3A_289 = arith.constant 0 : index
      %get3A_290 = vector.load %arg11[%get3A_288, %get3A_289] : memref<1536x128xf32, #tpu.memory_space<vmem>>, vector<1536x128xf32>
      %select_n3A_291 = arith.select %eq3A_285, %dot_general3A_287, %get3A_290 : vector<1536x128xi1>, vector<1536x128xf32>
      %swap3A_292 = arith.constant 0 : index
      %swap3A_293 = arith.constant 0 : index
      %swap3A_294 = vector.load %arg11[%swap3A_292, %swap3A_293] : memref<1536x128xf32, #tpu.memory_space<vmem>>, vector<1536x128xf32>
      tpu.vector_store %arg11[%swap3A_292, %swap3A_293], %select_n3A_291 {strides = array<i32>} : memref<1536x128xf32, #tpu.memory_space<vmem>>, vector<1536x128xf32>,
    } else {
    }
    %le3A_89 = arith.constant 8 : i32
    %le3A_90 = arith.cmpi sle, %get3A_19, %le3A_89 : i32
    %ge3A_91 = arith.constant 8 : i32
    %ge3A_92 = arith.cmpi sge, %get3A_24, %ge3A_91 : i32
    %and3A_93 = arith.andi %le3A_90, %ge3A_92 : i1
    %convert_element_type3A_94 = arith.extui %and3A_93 : i1 to i32
    %cond3A_95 = arith.constant 0 : i32
    %cond3A_96 = arith.cmpi ne, %convert_element_type3A_94, %cond3A_95 : i32
    scf.if %cond3A_96 {
      %get3A_278 = arith.constant 0 : index
      %get3A_279 = arith.constant 1024 : index
      %get3A_280 = vector.load %arg6[%get3A_278, %get3A_279] : memref<128x2048xbf16, #tpu.memory_space<vmem>>, vector<128x128xbf16>
      %add3A_281 = arith.constant 16 : i32
      %add3A_282 = vector.broadcast %add3A_281 : i32 to vector<1536x128xi32>
      %add3A_283 = arith.addi %add3A_282, %convert_element_type3A_14 : vector<1536x128xi32>
      %eq3A_284 = vector.broadcast %concatenate3A_11 : vector<1536x1xi32> to vector<1536x128xi32>
      %eq3A_285 = arith.cmpi eq, %eq3A_284, %add3A_283 : vector<1536x128xi32>
      %dot_general3A_286 = arith.constant dense<0.000000e+00> : vector<1536x128xf32>
      %dot_general3A_287 = tpu.matmul %convert_element_type3A, %get3A_280, %dot_general3A_286 {dimension_numbers = #tpu.dot_dimension_numbers<[1], [0], [0], [1], [0, 0, 1, 1], [], []>, transpose_lhs_hint = false} : vector<1536x128xbf16>, vector<128x128xbf16>, vector<1536x128xf32> -> vector<1536x128xf32>
      %get3A_288 = arith.constant 0 : index
      %get3A_289 = arith.constant 0 : index
      %get3A_290 = vector.load %arg11[%get3A_288, %get3A_289] : memref<1536x128xf32, #tpu.memory_space<vmem>>, vector<1536x128xf32>
      %select_n3A_291 = arith.select %eq3A_285, %dot_general3A_287, %get3A_290 : vector<1536x128xi1>, vector<1536x128xf32>
      %swap3A_292 = arith.constant 0 : index
      %swap3A_293 = arith.constant 0 : index
      %swap3A_294 = vector.load %arg11[%swap3A_292, %swap3A_293] : memref<1536x128xf32, #tpu.memory_space<vmem>>, vector<1536x128xf32>
      tpu.vector_store %arg11[%swap3A_292, %swap3A_293], %select_n3A_291 {strides = array<i32>} : memref<1536x128xf32, #tpu.memory_space<vmem>>, vector<1536x128xf32>,
    } else {
    }
    %le3A_97 = arith.constant 9 : i32
    %le3A_98 = arith.cmpi sle, %get3A_19, %le3A_97 : i32
    %ge3A_99 = arith.constant 9 : i32
    %ge3A_100 = arith.cmpi sge, %get3A_24, %ge3A_99 : i32
    %and3A_101 = arith.andi %le3A_98, %ge3A_100 : i1
    %convert_element_type3A_102 = arith.extui %and3A_101 : i1 to i32
    %cond3A_103 = arith.constant 0 : i32
    %cond3A_104 = arith.cmpi ne, %convert_element_type3A_102, %cond3A_103 : i32
    scf.if %cond3A_104 {
      %get3A_278 = arith.constant 0 : index
      %get3A_279 = arith.constant 1152 : index
      %get3A_280 = vector.load %arg6[%get3A_278, %get3A_279] : memref<128x2048xbf16, #tpu.memory_space<vmem>>, vector<128x128xbf16>
      %add3A_281 = arith.constant 18 : i32
      %add3A_282 = vector.broadcast %add3A_281 : i32 to vector<1536x128xi32>
      %add3A_283 = arith.addi %add3A_282, %convert_element_type3A_14 : vector<1536x128xi32>
      %eq3A_284 = vector.broadcast %concatenate3A_11 : vector<1536x1xi32> to vector<1536x128xi32>
      %eq3A_285 = arith.cmpi eq, %eq3A_284, %add3A_283 : vector<1536x128xi32>
      %dot_general3A_286 = arith.constant dense<0.000000e+00> : vector<1536x128xf32>
      %dot_general3A_287 = tpu.matmul %convert_element_type3A, %get3A_280, %dot_general3A_286 {dimension_numbers = #tpu.dot_dimension_numbers<[1], [0], [0], [1], [0, 0, 1, 1], [], []>, transpose_lhs_hint = false} : vector<1536x128xbf16>, vector<128x128xbf16>, vector<1536x128xf32> -> vector<1536x128xf32>
      %get3A_288 = arith.constant 0 : index
      %get3A_289 = arith.constant 0 : index
      %get3A_290 = vector.load %arg11[%get3A_288, %get3A_289] : memref<1536x128xf32, #tpu.memory_space<vmem>>, vector<1536x128xf32>
      %select_n3A_291 = arith.select %eq3A_285, %dot_general3A_287, %get3A_290 : vector<1536x128xi1>, vector<1536x128xf32>
      %swap3A_292 = arith.constant 0 : index
      %swap3A_293 = arith.constant 0 : index
      %swap3A_294 = vector.load %arg11[%swap3A_292, %swap3A_293] : memref<1536x128xf32, #tpu.memory_space<vmem>>, vector<1536x128xf32>
      tpu.vector_store %arg11[%swap3A_292, %swap3A_293], %select_n3A_291 {strides = array<i32>} : memref<1536x128xf32, #tpu.memory_space<vmem>>, vector<1536x128xf32>,
    } else {
    }
    %le3A_105 = arith.constant 10 : i32
    %le3A_106 = arith.cmpi sle, %get3A_19, %le3A_105 : i32
    %ge3A_107 = arith.constant 10 : i32
    %ge3A_108 = arith.cmpi sge, %get3A_24, %ge3A_107 : i32
    %and3A_109 = arith.andi %le3A_106, %ge3A_108 : i1
    %convert_element_type3A_110 = arith.extui %and3A_109 : i1 to i32
    %cond3A_111 = arith.constant 0 : i32
    %cond3A_112 = arith.cmpi ne, %convert_element_type3A_110, %cond3A_111 : i32
    scf.if %cond3A_112 {
      %get3A_278 = arith.constant 0 : index
      %get3A_279 = arith.constant 1280 : index
      %get3A_280 = vector.load %arg6[%get3A_278, %get3A_279] : memref<128x2048xbf16, #tpu.memory_space<vmem>>, vector<128x128xbf16>
      %add3A_281 = arith.constant 20 : i32
      %add3A_282 = vector.broadcast %add3A_281 : i32 to vector<1536x128xi32>
      %add3A_283 = arith.addi %add3A_282, %convert_element_type3A_14 : vector<1536x128xi32>
      %eq3A_284 = vector.broadcast %concatenate3A_11 : vector<1536x1xi32> to vector<1536x128xi32>
      %eq3A_285 = arith.cmpi eq, %eq3A_284, %add3A_283 : vector<1536x128xi32>
      %dot_general3A_286 = arith.constant dense<0.000000e+00> : vector<1536x128xf32>
      %dot_general3A_287 = tpu.matmul %convert_element_type3A, %get3A_280, %dot_general3A_286 {dimension_numbers = #tpu.dot_dimension_numbers<[1], [0], [0], [1], [0, 0, 1, 1], [], []>, transpose_lhs_hint = false} : vector<1536x128xbf16>, vector<128x128xbf16>, vector<1536x128xf32> -> vector<1536x128xf32>
      %get3A_288 = arith.constant 0 : index
      %get3A_289 = arith.constant 0 : index
      %get3A_290 = vector.load %arg11[%get3A_288, %get3A_289] : memref<1536x128xf32, #tpu.memory_space<vmem>>, vector<1536x128xf32>
      %select_n3A_291 = arith.select %eq3A_285, %dot_general3A_287, %get3A_290 : vector<1536x128xi1>, vector<1536x128xf32>
      %swap3A_292 = arith.constant 0 : index
      %swap3A_293 = arith.constant 0 : index
      %swap3A_294 = vector.load %arg11[%swap3A_292, %swap3A_293] : memref<1536x128xf32, #tpu.memory_space<vmem>>, vector<1536x128xf32>
      tpu.vector_store %arg11[%swap3A_292, %swap3A_293], %select_n3A_291 {strides = array<i32>} : memref<1536x128xf32, #tpu.memory_space<vmem>>, vector<1536x128xf32>,
    } else {
    }
    %le3A_113 = arith.constant 11 : i32
    %le3A_114 = arith.cmpi sle, %get3A_19, %le3A_113 : i32
    %ge3A_115 = arith.constant 11 : i32
    %ge3A_116 = arith.cmpi sge, %get3A_24, %ge3A_115 : i32
    %and3A_117 = arith.andi %le3A_114, %ge3A_116 : i1
    %convert_element_type3A_118 = arith.extui %and3A_117 : i1 to i32
    %cond3A_119 = arith.constant 0 : i32
    %cond3A_120 = arith.cmpi ne, %convert_element_type3A_118, %cond3A_119 : i32
    scf.if %cond3A_120 {
      %get3A_278 = arith.constant 0 : index
      %get3A_279 = arith.constant 1408 : index
      %get3A_280 = vector.load %arg6[%get3A_278, %get3A_279] : memref<128x2048xbf16, #tpu.memory_space<vmem>>, vector<128x128xbf16>
      %add3A_281 = arith.constant 22 : i32
      %add3A_282 = vector.broadcast %add3A_281 : i32 to vector<1536x128xi32>
      %add3A_283 = arith.addi %add3A_282, %convert_element_type3A_14 : vector<1536x128xi32>
      %eq3A_284 = vector.broadcast %concatenate3A_11 : vector<1536x1xi32> to vector<1536x128xi32>
      %eq3A_285 = arith.cmpi eq, %eq3A_284, %add3A_283 : vector<1536x128xi32>
      %dot_general3A_286 = arith.constant dense<0.000000e+00> : vector<1536x128xf32>
      %dot_general3A_287 = tpu.matmul %convert_element_type3A, %get3A_280, %dot_general3A_286 {dimension_numbers = #tpu.dot_dimension_numbers<[1], [0], [0], [1], [0, 0, 1, 1], [], []>, transpose_lhs_hint = false} : vector<1536x128xbf16>, vector<128x128xbf16>, vector<1536x128xf32> -> vector<1536x128xf32>
      %get3A_288 = arith.constant 0 : index
      %get3A_289 = arith.constant 0 : index
      %get3A_290 = vector.load %arg11[%get3A_288, %get3A_289] : memref<1536x128xf32, #tpu.memory_space<vmem>>, vector<1536x128xf32>
      %select_n3A_291 = arith.select %eq3A_285, %dot_general3A_287, %get3A_290 : vector<1536x128xi1>, vector<1536x128xf32>
      %swap3A_292 = arith.constant 0 : index
      %swap3A_293 = arith.constant 0 : index
      %swap3A_294 = vector.load %arg11[%swap3A_292, %swap3A_293] : memref<1536x128xf32, #tpu.memory_space<vmem>>, vector<1536x128xf32>
      tpu.vector_store %arg11[%swap3A_292, %swap3A_293], %select_n3A_291 {strides = array<i32>} : memref<1536x128xf32, #tpu.memory_space<vmem>>, vector<1536x128xf32>,
    } else {
    }
    %le3A_121 = arith.constant 12 : i32
    %le3A_122 = arith.cmpi sle, %get3A_19, %le3A_121 : i32
    %ge3A_123 = arith.constant 12 : i32
    %ge3A_124 = arith.cmpi sge, %get3A_24, %ge3A_123 : i32
    %and3A_125 = arith.andi %le3A_122, %ge3A_124 : i1
    %convert_element_type3A_126 = arith.extui %and3A_125 : i1 to i32
    %cond3A_127 = arith.constant 0 : i32
    %cond3A_128 = arith.cmpi ne, %convert_element_type3A_126, %cond3A_127 : i32
    scf.if %cond3A_128 {
      %get3A_278 = arith.constant 0 : index
      %get3A_279 = arith.constant 1536 : index
      %get3A_280 = vector.load %arg6[%get3A_278, %get3A_279] : memref<128x2048xbf16, #tpu.memory_space<vmem>>, vector<128x128xbf16>
      %add3A_281 = arith.constant 24 : i32
      %add3A_282 = vector.broadcast %add3A_281 : i32 to vector<1536x128xi32>
      %add3A_283 = arith.addi %add3A_282, %convert_element_type3A_14 : vector<1536x128xi32>
      %eq3A_284 = vector.broadcast %concatenate3A_11 : vector<1536x1xi32> to vector<1536x128xi32>
      %eq3A_285 = arith.cmpi eq, %eq3A_284, %add3A_283 : vector<1536x128xi32>
      %dot_general3A_286 = arith.constant dense<0.000000e+00> : vector<1536x128xf32>
      %dot_general3A_287 = tpu.matmul %convert_element_type3A, %get3A_280, %dot_general3A_286 {dimension_numbers = #tpu.dot_dimension_numbers<[1], [0], [0], [1], [0, 0, 1, 1], [], []>, transpose_lhs_hint = false} : vector<1536x128xbf16>, vector<128x128xbf16>, vector<1536x128xf32> -> vector<1536x128xf32>
      %get3A_288 = arith.constant 0 : index
      %get3A_289 = arith.constant 0 : index
      %get3A_290 = vector.load %arg11[%get3A_288, %get3A_289] : memref<1536x128xf32, #tpu.memory_space<vmem>>, vector<1536x128xf32>
      %select_n3A_291 = arith.select %eq3A_285, %dot_general3A_287, %get3A_290 : vector<1536x128xi1>, vector<1536x128xf32>
      %swap3A_292 = arith.constant 0 : index
      %swap3A_293 = arith.constant 0 : index
      %swap3A_294 = vector.load %arg11[%swap3A_292, %swap3A_293] : memref<1536x128xf32, #tpu.memory_space<vmem>>, vector<1536x128xf32>
      tpu.vector_store %arg11[%swap3A_292, %swap3A_293], %select_n3A_291 {strides = array<i32>} : memref<1536x128xf32, #tpu.memory_space<vmem>>, vector<1536x128xf32>,
    } else {
    }
    %le3A_129 = arith.constant 13 : i32
    %le3A_130 = arith.cmpi sle, %get3A_19, %le3A_129 : i32
    %ge3A_131 = arith.constant 13 : i32
    %ge3A_132 = arith.cmpi sge, %get3A_24, %ge3A_131 : i32
    %and3A_133 = arith.andi %le3A_130, %ge3A_132 : i1
    %convert_element_type3A_134 = arith.extui %and3A_133 : i1 to i32
    %cond3A_135 = arith.constant 0 : i32
    %cond3A_136 = arith.cmpi ne, %convert_element_type3A_134, %cond3A_135 : i32
    scf.if %cond3A_136 {
      %get3A_278 = arith.constant 0 : index
      %get3A_279 = arith.constant 1664 : index
      %get3A_280 = vector.load %arg6[%get3A_278, %get3A_279] : memref<128x2048xbf16, #tpu.memory_space<vmem>>, vector<128x128xbf16>
      %add3A_281 = arith.constant 26 : i32
      %add3A_282 = vector.broadcast %add3A_281 : i32 to vector<1536x128xi32>
      %add3A_283 = arith.addi %add3A_282, %convert_element_type3A_14 : vector<1536x128xi32>
      %eq3A_284 = vector.broadcast %concatenate3A_11 : vector<1536x1xi32> to vector<1536x128xi32>
      %eq3A_285 = arith.cmpi eq, %eq3A_284, %add3A_283 : vector<1536x128xi32>
      %dot_general3A_286 = arith.constant dense<0.000000e+00> : vector<1536x128xf32>
      %dot_general3A_287 = tpu.matmul %convert_element_type3A, %get3A_280, %dot_general3A_286 {dimension_numbers = #tpu.dot_dimension_numbers<[1], [0], [0], [1], [0, 0, 1, 1], [], []>, transpose_lhs_hint = false} : vector<1536x128xbf16>, vector<128x128xbf16>, vector<1536x128xf32> -> vector<1536x128xf32>
      %get3A_288 = arith.constant 0 : index
      %get3A_289 = arith.constant 0 : index
      %get3A_290 = vector.load %arg11[%get3A_288, %get3A_289] : memref<1536x128xf32, #tpu.memory_space<vmem>>, vector<1536x128xf32>
      %select_n3A_291 = arith.select %eq3A_285, %dot_general3A_287, %get3A_290 : vector<1536x128xi1>, vector<1536x128xf32>
      %swap3A_292 = arith.constant 0 : index
      %swap3A_293 = arith.constant 0 : index
      %swap3A_294 = vector.load %arg11[%swap3A_292, %swap3A_293] : memref<1536x128xf32, #tpu.memory_space<vmem>>, vector<1536x128xf32>
      tpu.vector_store %arg11[%swap3A_292, %swap3A_293], %select_n3A_291 {strides = array<i32>} : memref<1536x128xf32, #tpu.memory_space<vmem>>, vector<1536x128xf32>,
    } else {
    }
    %le3A_137 = arith.constant 14 : i32
    %le3A_138 = arith.cmpi sle, %get3A_19, %le3A_137 : i32
    %ge3A_139 = arith.constant 14 : i32
    %ge3A_140 = arith.cmpi sge, %get3A_24, %ge3A_139 : i32
    %and3A_141 = arith.andi %le3A_138, %ge3A_140 : i1
    %convert_element_type3A_142 = arith.extui %and3A_141 : i1 to i32
    %cond3A_143 = arith.constant 0 : i32
    %cond3A_144 = arith.cmpi ne, %convert_element_type3A_142, %cond3A_143 : i32
    scf.if %cond3A_144 {
      %get3A_278 = arith.constant 0 : index
      %get3A_279 = arith.constant 1792 : index
      %get3A_280 = vector.load %arg6[%get3A_278, %get3A_279] : memref<128x2048xbf16, #tpu.memory_space<vmem>>, vector<128x128xbf16>
      %add3A_281 = arith.constant 28 : i32
      %add3A_282 = vector.broadcast %add3A_281 : i32 to vector<1536x128xi32>
      %add3A_283 = arith.addi %add3A_282, %convert_element_type3A_14 : vector<1536x128xi32>
      %eq3A_284 = vector.broadcast %concatenate3A_11 : vector<1536x1xi32> to vector<1536x128xi32>
      %eq3A_285 = arith.cmpi eq, %eq3A_284, %add3A_283 : vector<1536x128xi32>
      %dot_general3A_286 = arith.constant dense<0.000000e+00> : vector<1536x128xf32>
      %dot_general3A_287 = tpu.matmul %convert_element_type3A, %get3A_280, %dot_general3A_286 {dimension_numbers = #tpu.dot_dimension_numbers<[1], [0], [0], [1], [0, 0, 1, 1], [], []>, transpose_lhs_hint = false} : vector<1536x128xbf16>, vector<128x128xbf16>, vector<1536x128xf32> -> vector<1536x128xf32>
      %get3A_288 = arith.constant 0 : index
      %get3A_289 = arith.constant 0 : index
      %get3A_290 = vector.load %arg11[%get3A_288, %get3A_289] : memref<1536x128xf32, #tpu.memory_space<vmem>>, vector<1536x128xf32>
      %select_n3A_291 = arith.select %eq3A_285, %dot_general3A_287, %get3A_290 : vector<1536x128xi1>, vector<1536x128xf32>
      %swap3A_292 = arith.constant 0 : index
      %swap3A_293 = arith.constant 0 : index
      %swap3A_294 = vector.load %arg11[%swap3A_292, %swap3A_293] : memref<1536x128xf32, #tpu.memory_space<vmem>>, vector<1536x128xf32>
      tpu.vector_store %arg11[%swap3A_292, %swap3A_293], %select_n3A_291 {strides = array<i32>} : memref<1536x128xf32, #tpu.memory_space<vmem>>, vector<1536x128xf32>,
    } else {
    }
    %le3A_145 = arith.constant 15 : i32
    %le3A_146 = arith.cmpi sle, %get3A_19, %le3A_145 : i32
    %ge3A_147 = arith.constant 15 : i32
    %ge3A_148 = arith.cmpi sge, %get3A_24, %ge3A_147 : i32
    %and3A_149 = arith.andi %le3A_146, %ge3A_148 : i1
    %convert_element_type3A_150 = arith.extui %and3A_149 : i1 to i32
    %cond3A_151 = arith.constant 0 : i32
    %cond3A_152 = arith.cmpi ne, %convert_element_type3A_150, %cond3A_151 : i32
    scf.if %cond3A_152 {
      %get3A_278 = arith.constant 0 : index
      %get3A_279 = arith.constant 1920 : index
      %get3A_280 = vector.load %arg6[%get3A_278, %get3A_279] : memref<128x2048xbf16, #tpu.memory_space<vmem>>, vector<128x128xbf16>
      %add3A_281 = arith.constant 30 : i32
      %add3A_282 = vector.broadcast %add3A_281 : i32 to vector<1536x128xi32>
      %add3A_283 = arith.addi %add3A_282, %convert_element_type3A_14 : vector<1536x128xi32>
      %eq3A_284 = vector.broadcast %concatenate3A_11 : vector<1536x1xi32> to vector<1536x128xi32>
      %eq3A_285 = arith.cmpi eq, %eq3A_284, %add3A_283 : vector<1536x128xi32>
      %dot_general3A_286 = arith.constant dense<0.000000e+00> : vector<1536x128xf32>
      %dot_general3A_287 = tpu.matmul %convert_element_type3A, %get3A_280, %dot_general3A_286 {dimension_numbers = #tpu.dot_dimension_numbers<[1], [0], [0], [1], [0, 0, 1, 1], [], []>, transpose_lhs_hint = false} : vector<1536x128xbf16>, vector<128x128xbf16>, vector<1536x128xf32> -> vector<1536x128xf32>
      %get3A_288 = arith.constant 0 : index
      %get3A_289 = arith.constant 0 : index
      %get3A_290 = vector.load %arg11[%get3A_288, %get3A_289] : memref<1536x128xf32, #tpu.memory_space<vmem>>, vector<1536x128xf32>
      %select_n3A_291 = arith.select %eq3A_285, %dot_general3A_287, %get3A_290 : vector<1536x128xi1>, vector<1536x128xf32>
      %swap3A_292 = arith.constant 0 : index
      %swap3A_293 = arith.constant 0 : index
      %swap3A_294 = vector.load %arg11[%swap3A_292, %swap3A_293] : memref<1536x128xf32, #tpu.memory_space<vmem>>, vector<1536x128xf32>
      tpu.vector_store %arg11[%swap3A_292, %swap3A_293], %select_n3A_291 {strides = array<i32>} : memref<1536x128xf32, #tpu.memory_space<vmem>>, vector<1536x128xf32>,
    } else {
    }
    %get3A_153 = arith.constant 0 : index
    %get3A_154 = arith.constant 0 : index
    %get3A_155 = vector.load %arg11[%get3A_153, %get3A_154] : memref<1536x128xf32, #tpu.memory_space<vmem>>, vector<1536x128xf32>
    %mul3A = arith.constant 28.7231331 : f32
    %mul3A_156 = vector.broadcast %mul3A : f32 to vector<1536x128xf32>
    %mul3A_157 = arith.mulf %get3A_155, %mul3A_156 : vector<1536x128xf32>
    %slice3A = vector.extract_strided_slice %mul3A_157 {offsets = [0, 0], sizes = [512, 128], strides = [1, 1]} : vector<1536x128xf32> to vector<512x128xf32>
    %slice3A_158 = vector.extract_strided_slice %mul3A_157 {offsets = [512, 0], sizes = [512, 128], strides = [1, 1]} : vector<1536x128xf32> to vector<512x128xf32>
    %slice3A_159 = vector.extract_strided_slice %mul3A_157 {offsets = [1024, 0], sizes = [512, 128], strides = [1, 1]} : vector<1536x128xf32> to vector<512x128xf32>
    %iota3A_160 = tpu.iota {dimensions = array<i32: 1>} : vector<512x32xi32>
    %eq3A = vector.broadcast %get3A_10 : vector<512x1xi32> to vector<512x32xi32>
    %eq3A_161 = arith.cmpi eq, %eq3A, %iota3A_160 : vector<512x32xi32>
    %convert_element_type3A_162 = arith.extui %eq3A_161 : vector<512x32xi1> to vector<512x32xi32>
    %convert_element_type3A_163 = arith.sitofp %convert_element_type3A_162 : vector<512x32xi32> to vector<512x32xf32>
    %get3A_164 = arith.constant 0 : index
    %get3A_165 = arith.constant 0 : index
    %get3A_166 = vector.load %arg7[%get3A_164, %get3A_165] : memref<32x128xf32, #tpu.memory_space<vmem>>, vector<32x128xf32>
    %dot_general3A = arith.constant dense<0.000000e+00> : vector<512x128xf32>
    %dot_general3A_167 = tpu.matmul %convert_element_type3A_163, %get3A_166, %dot_general3A {dimension_numbers = #tpu.dot_dimension_numbers<[1], [0], [0], [1], [0, 0, 1, 1], [], []>, transpose_lhs_hint = false} : vector<512x32xf32>, vector<32x128xf32>, vector<512x128xf32> -> vector<512x128xf32>
    %mul3A_168 = arith.constant 28.7231331 : f32
    %mul3A_169 = vector.broadcast %mul3A_168 : f32 to vector<512x128xf32>
    %mul3A_170 = arith.mulf %dot_general3A_167, %mul3A_169 : vector<512x128xf32>
    %get3A_171 = arith.constant 0 : index
    %get3A_172 = arith.constant 0 : index
    %get3A_173 = vector.load %arg8[%get3A_171, %get3A_172] : memref<1x1xf32, #tpu.memory_space<vmem>>, vector<1x1xf32>
    %get3A_174 = vector.extract %get3A_173[0, 0] : f32 from vector<1x1xf32>
    %add3A = arith.addf %slice3A, %mul3A_170 : vector<512x128xf32>
    %sub3A = arith.subf %add3A, %slice3A_158 : vector<512x128xf32>
    %sub3A_175 = arith.subf %add3A, %slice3A_159 : vector<512x128xf32>
    %slice3A_176 = vector.extract_strided_slice %sub3A {offsets = [0, 0], sizes = [512, 64], strides = [1, 1]} : vector<512x128xf32> to vector<512x64xf32>
    %slice3A_177 = vector.extract_strided_slice %sub3A {offsets = [0, 64], sizes = [512, 64], strides = [1, 1]} : vector<512x128xf32> to vector<512x64xf32>
    %add3A_178 = arith.addf %slice3A_176, %slice3A_177 : vector<512x64xf32>
    %slice3A_179 = vector.extract_strided_slice %sub3A_175 {offsets = [0, 0], sizes = [512, 64], strides = [1, 1]} : vector<512x128xf32> to vector<512x64xf32>
    %slice3A_180 = vector.extract_strided_slice %sub3A_175 {offsets = [0, 64], sizes = [512, 64], strides = [1, 1]} : vector<512x128xf32> to vector<512x64xf32>
    %add3A_181 = arith.addf %slice3A_179, %slice3A_180 : vector<512x64xf32>
    %concatenate3A_182 = tpu.concatenate %add3A_178, %add3A_181 in 1 : vector<512x64xf32>, vector<512x64xf32> -> vector<512x128xf32>
    %mul3A_183 = arith.constant 0.318309903 : f32
    %mul3A_184 = vector.broadcast %mul3A_183 : f32 to vector<512x128xf32>
    %mul3A_185 = arith.mulf %concatenate3A_182, %mul3A_184 : vector<512x128xf32>
    %round3A = math.roundeven %mul3A_185 : vector<512x128xf32>
    %sub3A_186 = arith.subf %mul3A_185, %round3A : vector<512x128xf32>
    %abs3A = math.absf %sub3A_186 : vector<512x128xf32>
    %mul3A_187 = arith.mulf %abs3A, %abs3A : vector<512x128xf32>
    %mul3A_188 = arith.constant -0.557158113 : f32
    %mul3A_189 = vector.broadcast %mul3A_188 : f32 to vector<512x128xf32>
    %mul3A_190 = arith.mulf %mul3A_187, %mul3A_189 : vector<512x128xf32>
    %add3A_191 = arith.constant 2.54287505 : f32
    %add3A_192 = vector.broadcast %add3A_191 : f32 to vector<512x128xf32>
    %add3A_193 = arith.addf %add3A_192, %mul3A_190 : vector<512x128xf32>
    %mul3A_194 = arith.mulf %mul3A_187, %add3A_193 : vector<512x128xf32>
    %add3A_195 = arith.constant -5.16724825 : f32
    %add3A_196 = vector.broadcast %add3A_195 : f32 to vector<512x128xf32>
    %add3A_197 = arith.addf %add3A_196, %mul3A_194 : vector<512x128xf32>
    %mul3A_198 = arith.mulf %mul3A_187, %add3A_197 : vector<512x128xf32>
    %add3A_199 = arith.constant 3.14158487 : f32
    %add3A_200 = vector.broadcast %add3A_199 : f32 to vector<512x128xf32>
    %add3A_201 = arith.addf %add3A_200, %mul3A_198 : vector<512x128xf32>
    %mul3A_202 = arith.mulf %abs3A, %add3A_201 : vector<512x128xf32>
    %iota3A_203 = tpu.iota {dimensions = array<i32: 1>} : vector<512x128xi32>
    %lt3A = arith.constant 64 : i32
    %lt3A_204 = vector.broadcast %lt3A : i32 to vector<512x128xi32>
    %lt3A_205 = arith.cmpi slt, %iota3A_203, %lt3A_204 : vector<512x128xi32>
    %jit3A = arith.constant 1.000000e+00 : f32
    %jit3A_206 = arith.constant -1.000000e+00 : f32
    %broadcast_in_dim3A_207 = vector.broadcast %jit3A : f32 to vector<512x128xf32>
    %broadcast_in_dim3A_208 = vector.broadcast %jit3A_206 : f32 to vector<512x128xf32>
    %select_n3A = arith.select %lt3A_205, %broadcast_in_dim3A_207, %broadcast_in_dim3A_208 : vector<512x128xi1>, vector<512x128xf32>
    %mul3A_209 = arith.mulf %mul3A_202, %select_n3A : vector<512x128xf32>
    %reduce_sum3A = arith.constant dense<0.000000e+00> : vector<512xf32>
    %reduce_sum3A_210 = vector.multi_reduction <add>, %mul3A_209, %reduce_sum3A [1] : vector<512x128xf32> to vector<512xf32>
    %broadcast_in_dim3A_211 = vector.shape_cast %reduce_sum3A_210 : vector<512xf32> to vector<512x1xf32>
    %reshape3A = vector.shape_cast %broadcast_in_dim3A_211 : vector<512x1xf32> to vector<4x128xf32>
    %mul3A_212 = vector.broadcast %get3A_174 : f32 to vector<4x128xf32>
    %mul3A_213 = arith.mulf %reshape3A, %mul3A_212 : vector<4x128xf32>
    %neg3A = arith.constant 0.000000e+00 : f32
    %neg3A_214 = vector.broadcast %neg3A : f32 to vector<4x128xf32>
    %neg3A_215 = arith.subf %neg3A_214, %mul3A_213 : vector<4x128xf32>
    %max3A = arith.constant 0.000000e+00 : f32
    %max3A_216 = vector.broadcast %max3A : f32 to vector<4x128xf32>
    %max3A_217 = arith.maximumf %neg3A_215, %max3A_216 : vector<4x128xf32>
    %abs3A_218 = math.absf %mul3A_213 : vector<4x128xf32>
    %neg3A_219 = arith.constant 0.000000e+00 : f32
    %neg3A_220 = vector.broadcast %neg3A_219 : f32 to vector<4x128xf32>
    %neg3A_221 = arith.subf %neg3A_220, %abs3A_218 : vector<4x128xf32>
    %exp3A = math.exp %neg3A_221 : vector<4x128xf32>
    %log1p3A = math.log1p %exp3A : vector<4x128xf32>
    %add3A_222 = arith.addf %max3A_217, %log1p3A : vector<4x128xf32>
    %reduce_sum3A_223 = vector.shape_cast %add3A_222 : vector<4x128xf32> to vector<1x4x128xf32>
    %reduce_sum3A_224 = arith.constant dense<0.000000e+00> : vector<1xf32>
    %reduce_sum3A_225 = vector.multi_reduction <add>, %reduce_sum3A_223, %reduce_sum3A_224 [1, 2] : vector<1x4x128xf32> to vector<1xf32>
    %reduce_sum3A_226 = vector.shape_cast %reduce_sum3A_225 : vector<1xf32> to vector<1x1x1xf32>
    %reduce_sum3A_227 = vector.extract %reduce_sum3A_226[0, 0, 0] : f32 from vector<1x1x1xf32>
    %reshape3A_228 = vector.broadcast %reduce_sum3A_227 : f32 to vector<1x1xf32>
    %mul3A_229 = arith.mulf %slice3A, %slice3A : vector<512x128xf32>
    %reduce_sum3A_230 = vector.shape_cast %mul3A_229 : vector<512x128xf32> to vector<1x512x128xf32>
    %reduce_sum3A_231 = arith.constant dense<0.000000e+00> : vector<1xf32>
    %reduce_sum3A_232 = vector.multi_reduction <add>, %reduce_sum3A_230, %reduce_sum3A_231 [1, 2] : vector<1x512x128xf32> to vector<1xf32>
    %reduce_sum3A_233 = vector.shape_cast %reduce_sum3A_232 : vector<1xf32> to vector<1x1x1xf32>
    %reduce_sum3A_234 = vector.extract %reduce_sum3A_233[0, 0, 0] : f32 from vector<1x1x1xf32>
    %mul3A_235 = arith.mulf %mul3A_170, %mul3A_170 : vector<512x128xf32>
    %reduce_sum3A_236 = vector.shape_cast %mul3A_235 : vector<512x128xf32> to vector<1x512x128xf32>
    %reduce_sum3A_237 = arith.constant dense<0.000000e+00> : vector<1xf32>
    %reduce_sum3A_238 = vector.multi_reduction <add>, %reduce_sum3A_236, %reduce_sum3A_237 [1, 2] : vector<1x512x128xf32> to vector<1xf32>
    %reduce_sum3A_239 = vector.shape_cast %reduce_sum3A_238 : vector<1xf32> to vector<1x1x1xf32>
    %reduce_sum3A_240 = vector.extract %reduce_sum3A_239[0, 0, 0] : f32 from vector<1x1x1xf32>
    %add3A_241 = arith.addf %reduce_sum3A_234, %reduce_sum3A_240 : f32
    %mul3A_242 = arith.mulf %slice3A_158, %slice3A_158 : vector<512x128xf32>
    %reduce_sum3A_243 = vector.shape_cast %mul3A_242 : vector<512x128xf32> to vector<1x512x128xf32>
    %reduce_sum3A_244 = arith.constant dense<0.000000e+00> : vector<1xf32>
    %reduce_sum3A_245 = vector.multi_reduction <add>, %reduce_sum3A_243, %reduce_sum3A_244 [1, 2] : vector<1x512x128xf32> to vector<1xf32>
    %reduce_sum3A_246 = vector.shape_cast %reduce_sum3A_245 : vector<1xf32> to vector<1x1x1xf32>
    %reduce_sum3A_247 = vector.extract %reduce_sum3A_246[0, 0, 0] : f32 from vector<1x1x1xf32>
    %add3A_248 = arith.addf %add3A_241, %reduce_sum3A_247 : f32
    %mul3A_249 = arith.mulf %slice3A_159, %slice3A_159 : vector<512x128xf32>
    %reduce_sum3A_250 = vector.shape_cast %mul3A_249 : vector<512x128xf32> to vector<1x512x128xf32>
    %reduce_sum3A_251 = arith.constant dense<0.000000e+00> : vector<1xf32>
    %reduce_sum3A_252 = vector.multi_reduction <add>, %reduce_sum3A_250, %reduce_sum3A_251 [1, 2] : vector<1x512x128xf32> to vector<1xf32>
    %reduce_sum3A_253 = vector.shape_cast %reduce_sum3A_252 : vector<1xf32> to vector<1x1x1xf32>
    %reduce_sum3A_254 = vector.extract %reduce_sum3A_253[0, 0, 0] : f32 from vector<1x1x1xf32>
    %add3A_255 = arith.addf %add3A_248, %reduce_sum3A_254 : f32
    %mul3A_256 = arith.constant 5.000000e-01 : f32
    %mul3A_257 = arith.mulf %mul3A_256, %add3A_255 : f32
    %reshape3A_258 = vector.broadcast %mul3A_257 : f32 to vector<1x1xf32>
    %eq3A_259 = arith.constant 0 : i32
    %eq3A_260 = arith.cmpi eq, %arg0, %eq3A_259 : i32
    %convert_element_type3A_261 = arith.extui %eq3A_260 : i1 to i32
    %cond3A_262 = arith.constant 0 : i32
    %cond3A_263 = arith.cmpi ne, %convert_element_type3A_261, %cond3A_262 : i32
    scf.if %cond3A_263 {
      %broadcast_in_dim3A_278 = arith.constant 0.000000e+00 : f32
      %broadcast_in_dim3A_279 = vector.broadcast %broadcast_in_dim3A_278 : f32 to vector<1x1xf32>
      %swap3A_280 = arith.constant 0 : index
      %swap3A_281 = arith.constant 0 : index
      %swap3A_282 = vector.load %arg9[%swap3A_280, %swap3A_281] : memref<1x1xf32, #tpu.memory_space<vmem>>, vector<1x1xf32>
      tpu.vector_store %arg9[%swap3A_280, %swap3A_281], %broadcast_in_dim3A_279 {strides = array<i32>} : memref<1x1xf32, #tpu.memory_space<vmem>>, vector<1x1xf32>,
      %broadcast_in_dim3A_283 = arith.constant 0.000000e+00 : f32
      %broadcast_in_dim3A_284 = vector.broadcast %broadcast_in_dim3A_283 : f32 to vector<1x1xf32>
      %swap3A_285 = arith.constant 0 : index
      %swap3A_286 = arith.constant 0 : index
      %swap3A_287 = vector.load %arg10[%swap3A_285, %swap3A_286] : memref<1x1xf32, #tpu.memory_space<vmem>>, vector<1x1xf32>
      tpu.vector_store %arg10[%swap3A_285, %swap3A_286], %broadcast_in_dim3A_284 {strides = array<i32>} : memref<1x1xf32, #tpu.memory_space<vmem>>, vector<1x1xf32>,
    } else {
    }
    %get3A_264 = arith.constant 0 : index
    %get3A_265 = arith.constant 0 : index
    %get3A_266 = vector.load %arg9[%get3A_264, %get3A_265] : memref<1x1xf32, #tpu.memory_space<vmem>>, vector<1x1xf32>
    %add3A_267 = arith.addf %get3A_266, %reshape3A_228 : vector<1x1xf32>
    %swap3A_268 = arith.constant 0 : index
    %swap3A_269 = arith.constant 0 : index
    %swap3A_270 = vector.load %arg9[%swap3A_268, %swap3A_269] : memref<1x1xf32, #tpu.memory_space<vmem>>, vector<1x1xf32>
    tpu.vector_store %arg9[%swap3A_268, %swap3A_269], %add3A_267 {strides = array<i32>} : memref<1x1xf32, #tpu.memory_space<vmem>>, vector<1x1xf32>,
    %get3A_271 = arith.constant 0 : index
    %get3A_272 = arith.constant 0 : index
    %get3A_273 = vector.load %arg10[%get3A_271, %get3A_272] : memref<1x1xf32, #tpu.memory_space<vmem>>, vector<1x1xf32>
    %add3A_274 = arith.addf %get3A_273, %reshape3A_258 : vector<1x1xf32>
    %swap3A_275 = arith.constant 0 : index
    %swap3A_276 = arith.constant 0 : index
    %swap3A_277 = vector.load %arg10[%swap3A_275, %swap3A_276] : memref<1x1xf32, #tpu.memory_space<vmem>>, vector<1x1xf32>
    tpu.vector_store %arg10[%swap3A_275, %swap3A_276], %add3A_274 {strides = array<i32>} : memref<1x1xf32, #tpu.memory_space<vmem>>, vector<1x1xf32>,
    return
  }
  func.func @transform_0(%arg0: i32) -> (i32, i32) {
    %c0_i32 = arith.constant 0 : i32
    %c0_i32_0 = arith.constant 0 : i32
    return %arg0, %c0_i32 : i32, i32
  }
  func.func @transform_1(%arg0: i32) -> (i32, i32) {
    %add3A = arith.constant 32 : i32
    %add3A_0 = arith.addi %arg0, %add3A : i32
    %c0_i32 = arith.constant 0 : i32
    %c0_i32_1 = arith.constant 0 : i32
    return %add3A_0, %c0_i32 : i32, i32
  }
  func.func @transform_2(%arg0: i32) -> (i32, i32) {
    %add3A = arith.constant 64 : i32
    %add3A_0 = arith.addi %arg0, %add3A : i32
    %c0_i32 = arith.constant 0 : i32
    %c0_i32_1 = arith.constant 0 : i32
    return %add3A_0, %c0_i32 : i32, i32
  }
  func.func @transform_3(%arg0: i32) -> (i32, i32) {
    %c0_i32 = arith.constant 0 : i32
    %c0_i32_0 = arith.constant 0 : i32
    return %arg0, %c0_i32 : i32, i32
  }
  func.func @transform_4(%arg0: i32) -> (i32, i32, i32) {
    %c0_i32 = arith.constant 0 : i32
    %c0_i32_0 = arith.constant 0 : i32
    %c0_i32_1 = arith.constant 0 : i32
    return %arg0, %c0_i32, %c0_i32_0 : i32, i32, i32
  }
  func.func @transform_5(%arg0: i32) -> (i32, i32) {
    %c0_i32 = arith.constant 0 : i32
    %c0_i32_0 = arith.constant 0 : i32
    %c0_i32_1 = arith.constant 0 : i32
    return %c0_i32, %c0_i32_0 : i32, i32
  }
  func.func @transform_6(%arg0: i32) -> (i32, i32) {
    %c0_i32 = arith.constant 0 : i32
    %c0_i32_0 = arith.constant 0 : i32
    %c0_i32_1 = arith.constant 0 : i32
    return %c0_i32, %c0_i32_0 : i32, i32
  }
  func.func @transform_7(%arg0: i32) -> (i32, i32) {
    %c0_i32 = arith.constant 0 : i32
    %c0_i32_0 = arith.constant 0 : i32
    %c0_i32_1 = arith.constant 0 : i32
    return %c0_i32, %c0_i32_0 : i32, i32
  }
  func.func @transform_8(%arg0: i32) -> (i32, i32) {
    %c0_i32 = arith.constant 0 : i32
    %c0_i32_0 = arith.constant 0 : i32
    %c0_i32_1 = arith.constant 0 : i32
    return %c0_i32, %c0_i32_0 : i32, i32
  }
  func.func @transform_9(%arg0: i32) -> (i32, i32) {
    %c0_i32 = arith.constant 0 : i32
    %c0_i32_0 = arith.constant 0 : i32
    %c0_i32_1 = arith.constant 0 : i32
    return %c0_i32, %c0_i32_0 : i32, i32
  }
}

</mosaic_0001>

<sc_bundles>
// kernel: gather_offload_async_start.1
scs
__scs_entry_jumppad:
0x0: {  	(pc) =	sbr.rel $0x88, $3  }
0x1: {  	(tag) =	ssettag $0x0;
	lr =	simm.s32 $0x1  }
0x2: {  	[smem:$0x3F99] =	sst lr;
	_ =	strace $0xD0000000  }
0x3: {  	_ = 	snop  }
0x4: {  	_ = 	snop  }
0x5: {  	_ = 	snop  }
0x6: {  	_ = 	snop  }
0x7: {  	_ = 	snop  }
__scs_overlays_trampoline_lowered:
0x8: {  	[smem:$0x3FA8] =	sst s0  }
0x9: {  	[smem:$0x3FA9] =	sst s1  }
0xa: {  	[smem:$0x3FAA] =	sst s2  }
0xb: {  	[smem:$0x3FAB] =	sst s3  }
0xc: {  	[smem:$0x3FAC] =	sst s4  }
0xd: {  	[smem:$0x3FAD] =	sst s5  }
0xe: {  	[smem:$0x3FAE] =	sst s6  }
0xf: {  	[smem:$0x3FAF] =	sst s7  }
0x10: {  	[smem:$0x3FB0] =	sst s8  }
0x11: {  	[smem:$0x3FB1] =	sst s9;
	s0 =	simm.s32 @!p0 $0x0  }
0x12: {  	s1 =	sld [smem:$0x3F97];
	s0 =	simm.s32 @p0 $0x1  }
0x13: {  	[smem:$0x3FB2] =	sst s0;
	s0 =	simm.s32 @!p1 $0x0  }
0x14: {  	s2 =	sld [smem:$0x3F96];
	s0 =	simm.s32 @p1 $0x1  }
0x15: {  	[smem:$0x3FB3] =	sst s0;
	s0 =	simm.s32 @!p2 $0x0  }
0x16: {  	s3 =	sld [smem:$0x3FDB];
	s0 =	simm.s32 @p2 $0x1  }
0x17: {  	s4 =	simm.s32 $0x1BF5;
	[smem:$0x3FB5] =	sst s0  }
0x18: {  	s0 =	sld [smem:$0x3F98];
	_ =	swait.ge [sflag:s4], $0x0  }
0x19: {  	s7 =	sld [smem:$0x3F99]  }
0x1a: {  	s8 =	sadd.s32 $0xFFFFE003, lr  }
0x1b: {  	s9 =	sadd.s32 $0xFFFFFEF7, lr;
	s5 =	simm.s32 $0xFFFFFFFF;
	p2 =	slt.u32 s8, $0xFFFFF086  }
0x1c: {  	p1 =	slt.u32 s9, $0xF7A;
	s5 =	simm.s32 @!p2 $0x0  }
0x1d: {  	s5 =	simm.s32 @p1 $0x1;
	p0 =	seq.s32 s7, s2  }
0x1e: {  	s7 =	smul.u32 @!p0 $0xF7A, s2;
	p2 =	seq.s32 @!p0 s5, $0x0  }
0x1f: {  	s9 =	smul.u32 $0xF7A, s1;
	s8 =	simm.s32 @!p0 $0x1BF5;
	p2 =	por !p2, p0  }
0x20: {  	[sflag:s8] =	ssyncset.s32 @!p0 $0xFFFFF086;
	s6 =	sadd.s32 @!p0 s3, s7;
	s7 =	simm.s32 @!p0 $0x108  }
0x21: {  	s3 =	sadd.s32 s3, s9;
	s6 =	sadd.s32 @!p0 $0x88, s6;
	s7 =	simm.s32 @p2 $0x1082  }
0x22: {  	[simem:s7], [sflag:s8] =	dma.local @!p0 [hbm:s6], $0xF7A  }
0x23: {  	s9 =	sor.u32 $0xD0000000, s2;
	s6 =	simm.s32 $0x108;
	_ =	swait.ge @!p0 [sflag:s8], $0x0  }
0x24: {  	s3 =	sadd.s32 $0x88, s3;
	s6 =	simm.s32 @!p1 $0x1082;
	[sflag:s4] =	ssyncset.s32 $0xFFFFF086  }
0x25: {  	[simem:s6], [sflag:s4] =	dma.local [hbm:s3], $0xF7A  }
0x26: {  	[smem:$0x3F99] =	sst s1;
	(tag) =	ssettag s2;
	_ =	strace s9  }
0x27: {  	s1 =	sld [smem:$0x3FA9]  }
0x28: {  	s2 =	sld [smem:$0x3FAA]  }
0x29: {  	s4 =	sld [smem:$0x3FAC]  }
0x2a: {  	p0 =	seq.s32 s5, $0x0;
	s5 =	sld [smem:$0x3FAD]  }
0x2b: {  	s6 =	sld [smem:$0x3FAE]  }
0x2c: {  	s7 =	sld [smem:$0x3FAF]  }
0x2d: {  	s3 =	simm.s32 $0x108;
	s8 =	sld [smem:$0x3FB0]  }
0x2e: {  	s3 =	simm.s32 @!p0 $0x1082;
	s9 =	sld [smem:$0x3FB1]  }
0x2f: {  	lr =	sadd.s32 s0, s3;
	s0 =	sld [smem:$0x3FA8]  }
0x30: {  	s3 =	sld [smem:$0x3FAB]  }
0x31: {  	[smem:$0x3FB4] =	sst s10  }
0x32: {  	s10 =	sld [smem:$0x3FB2];
	_ =	sdelay $0x3  }
0x33: {  	p0 =	seq.s32 s10, $0x1;
	s10 =	sld [smem:$0x3FB4];
	_ =	sdelay $0x3  }
0x34: {  	[smem:$0x3FB4] =	sst s10  }
0x35: {  	s10 =	sld [smem:$0x3FB3];
	_ =	sdelay $0x3  }
0x36: {  	p1 =	seq.s32 s10, $0x1;
	s10 =	sld [smem:$0x3FB4];
	_ =	sdelay $0x3  }
0x37: {  	[smem:$0x3FB4] =	sst s10  }
0x38: {  	s10 =	sld [smem:$0x3FB5]  }
0x39: {  	_ = 	snop;
	(pc) =	sbr.ind lr, $3  }
0x3a: {  	_ = 	snop  }
0x3b: {  	_ = 	snop  }
0x3c: {  	p2 =	seq.s32 s10, $0x1;
	s10 =	sld [smem:$0x3FB4]  }
0x3d: {  	_ =	shalt  }
0x3e: {  	_ =	shalt  }
0x3f: {  	_ =	shalt  }
0x40: {  	_ =	shalt  }
0x41: {  	_ =	shalt  }
0x42: {  	_ =	shalt  }
0x43: {  	_ =	shalt  }
0x44: {  	_ =	shalt  }
0x45: {  	_ =	shalt  }
0x46: {  	_ =	shalt  }
0x47: {  	_ =	shalt  }
0x48: {  	_ =	shalt  }
0x49: {  	_ =	shalt  }
0x4a: {  	_ =	shalt  }
0x4b: {  	_ =	shalt  }
0x4c: {  	_ =	shalt  }
0x4d: {  	_ =	shalt  }
0x4e: {  	_ =	shalt  }
0x4f: {  	_ =	shalt  }
0x50: {  	_ =	shalt  }
0x51: {  	_ =	shalt  }
0x52: {  	_ =	shalt  }
0x53: {  	_ =	shalt  }
0x54: {  	_ =	shalt  }
0x55: {  	_ =	shalt  }
0x56: {  	_ =	shalt  }
0x57: {  	_ =	shalt  }
0x58: {  	_ =	shalt  }
0x59: {  	_ =	shalt  }
0x5a: {  	_ =	shalt  }
0x5b: {  	_ =	shalt  }
0x5c: {  	_ =	shalt  }
0x5d: {  	_ =	shalt  }
0x5e: {  	_ =	shalt  }
0x5f: {  	_ =	shalt  }
0x60: {  	_ =	shalt  }
0x61: {  	_ =	shalt  }
0x62: {  	_ =	shalt  }
0x63: {  	_ =	shalt  }
0x64: {  	_ =	shalt  }
0x65: {  	_ =	shalt  }
0x66: {  	_ =	shalt  }
0x67: {  	_ =	shalt  }
0x68: {  	_ =	shalt  }
0x69: {  	_ =	shalt  }
0x6a: {  	_ =	shalt  }
0x6b: {  	_ =	shalt  }
0x6c: {  	_ =	shalt  }
0x6d: {  	_ =	shalt  }
0x6e: {  	_ =	shalt  }
0x6f: {  	_ =	shalt  }
0x70: {  	_ =	shalt  }
0x71: {  	_ =	shalt  }
0x72: {  	_ =	shalt  }
0x73: {  	_ =	shalt  }
0x74: {  	_ =	shalt  }
0x75: {  	_ =	shalt  }
0x76: {  	_ =	shalt  }
0x77: {  	_ =	shalt  }
0x78: {  	_ =	shalt  }
0x79: {  	_ =	shalt  }
0x7a: {  	_ =	shalt  }
0x7b: {  	_ =	shalt  }
0x7c: {  	_ =	shalt  }
0x7d: {  	_ =	shalt  }
0x7e: {  	_ =	shalt  }
0x7f: {  	_ =	shalt  }
0x80: {  	_ =	shalt  }
0x81: {  	_ =	shalt  }
0x82: {  	_ =	shalt  }
0x83: {  	_ =	shalt  }
0x84: {  	_ =	shalt  }
0x85: {  	_ =	shalt  }
0x86: {  	_ =	shalt  }
0x87: {  	_ =	shalt  }
.Lfunc_end0:
.L_simem_size_0:
called_computation.1_lowered:
.L_overlay_start_0:
0x88: {  	s2 =	sld [smem:$0x3FD9]  }
0x89: {  	s3 =	sld [smem:$0x3FFE];
	_ =	sdelay $0x1  }
0x8a: {  	s1 =	srdreg.scid  }
0x8b: {  	s0 =	sand.u32 $0x1, s1  }
0x8c: {  	s17 =	sshll.u32 s0, $0xA;
	s2 =	sadd.s32 s3, s2  }
0x8d: {  	s2 =	sadd.s32 s2, s17  }
0x8e: {  	[smem:$0x3FC0] =	sst s2  }
0x8f: {  	_ = 	snop  }
0x90: {  	s18 =	sld [smem:$0x3FC7];
	(tm) =	ssettm $0x1  }
0x91: {  	s19 =	sld [smem:$0x3FFB];
	_ =	sdelay $0x3  }
0x92: {  	_ =	strace s19  }
0x93: {  	s2 =	sld [smem:$0x3FFC];
	_ =	sdelay $0x3  }
0x94: {  	_ =	strace s2  }
0x95: {  	s2 =	sld [smem:$0x3FFD];
	_ =	sdelay $0x3  }
0x96: {  	_ =	strace s2  }
0x97: {  	_ =	strace $0x8FFFFFFF  }
0x98: {  	s20 =	sld [smem:$0x3FDB];
	_ =	sdelay $0x1  }
0x99: {  	s4 =	simm.s32 $_scs_section_size  }
0x9a: {  	s5 =	simm.s32 $_size__tile_overlayer_lowered;
	s6 =	simm.s32 $_tile_overlayer_lowered  }
0x9b: {  	s7 =	simm.s32 $0x1BFF;
	s21 =	sshll.u32 s6, $0x1;
	s4 =	sadd.s32 s4, s20  }
0x9c: {  	s22 =	simm.s32 $0x0;
	s5 =	sshll.u32 s5, $0x1;
	s6 =	sadd.s32 s21, s4  }
0x9d: {  	[timem:s22], [sflag:s7] =	dma.local [hbm:s6], s5  }
0x9e: {  	_ =	swait.ge [sflag:s7], s5  }
0x9f: {  	s5 =	ssub.s32 $0x0, s5;
	[sflag:s7] =	ssyncset.done $0x0  }
0xa0: {  	[sflag:s7] =	ssyncadd.s32 s5;
	_ =	sdelay $0x1  }
0xa1: {  	s23 =	simm.s32 $0x1B8B  }
0xa2: {  	_ =	swait.ge [sflag:s23], $0x1  }
0xa3: {  	[sflag:s23] =	ssyncset.done $0x0  }
0xa4: {  	[sflag:s23] =	ssyncadd.s32 $0xFFFFFFFF  }
0xa5: {  	s5 =	sld [smem:$0x0]  }
0xa6: {  	s6 =	sand.u32 $0xFFFFFFFE, s1  }
0xa7: {  	p0 =	sne.s32 s1, s6  }
0xa8: {  	s6 =	sshll.u32 @p0 s6, $0xE  }
0xa9: {  	s6 =	sadd.s32 @p0 $0x11B8D, s6;
	s7 =	sshll.u32 @p0 s5, $0x11  }
0xaa: {  	s6 =	sor.u32 @p0 s7, s6  }
0xab: {  	[sflag:s6] =	ssyncadd.remote.s32 @p0 $0x1;
	_ =	sdelay $0x1  }
0xac: {  	s6 =	simm.s32 @p0 $0x1B8D  }
0xad: {  	_ =	swait.eq @p0 [sflag:s6], $0x1  }
0xae: {  	[sflag:s6] =	ssyncadd.s32 @p0 $0xFFFFFFFF  }
0xaf: {  	s7 =	sshll.u32 @!p0 s1, $0xE  }
0xb0: {  	s7 =	sor.u32 @!p0 $0x4000, s7;
	s6 =	simm.s32 @!p0 $0x1B8D  }
0xb1: {  	s5 =	sshll.u32 @!p0 s5, $0x11;
	s7 =	sadd.s32 @!p0 $0x11B8D, s7;
	_ =	swait.eq @!p0 [sflag:s6], $0x1  }
0xb2: {  	s5 =	sor.u32 @!p0 s5, s7;
	[sflag:s6] =	ssyncadd.s32 @!p0 $0xFFFFFFFF  }
0xb3: {  	s25 =	simm.s32 $0x1B8E;
	s24 =	sld [smem:$0x3FFE];
	[sflag:s5] =	ssyncadd.remote.s32 @!p0 $0x1  }
0xb4: {  	s26 =	simm.s32 $execute0_lowered;
	[smem:$0x3FD2] =	sst s25  }
0xb5: {  	s6 =	sshll.u32 s26, $0x1;
	_ =	strace $0x80000049;
	[dreg:$0x1] =	wrdreg $0xFFFFFFFF  }
0xb6: {  	s28 =	simm.s32 $_size_execute0_lowered;
	s4 =	sadd.s32 s4, s6;
	[dreg:$0x0] =	wrdreg $0x0  }
0xb7: {  	s6 =	sshll.u32 s28, $0x1;
	[dreg:$0x2] =	wrdreg s4  }
0xb8: {  	[dreg:$0x3] =	wrdreg s6  }
0xb9: {  	[dreg:$0x4] =	wrdreg $0xC0  }
0xba: {  	_ =	task [dreg:s22], $0x5FFFF  }
0xbb: {  	[dreg:$0x1] =	wrdreg $0xFFFFFFFF  }
0xbc: {  	[dreg:$0x0] =	wrdreg $0x60  }
0xbd: {  	[dreg:$0x2] =	wrdreg s18  }
0xbe: {  	[dreg:$0x3] =	wrdreg s24  }
0xbf: {  	[dreg:$0x4] =	wrdreg $0xA  }
0xc0: {  	_ =	task.clear_ibuf [dreg:s22], $0x5FFFF;
	_ =	strace $0x90000049  }
0xc1: {  	s29 =	simm.s32 $0xA;
	_ =	strace $0x8000004B  }
0xc2: {  	_ =	swait.ge [sflag:s29], $0x1  }
0xc3: {  	[sflag:s29] =	ssyncadd.s32 $0xFFFFFFFF  }
0xc4: {  	_ =	strace $0x9000004B  }
0xc5: {  	_ =	sfence  }
0xc6: {  	s30 =	sld [smem:$0x0];
	_ =	sdelay $0x2  }
0xc7: {  	s31 =	sshll.u32 s1, $0xD;
	s1 =	sshrl.u32 s1, $0x2  }
0xc8: {  	s4 =	sand.u32 $0x4000, s31;
	s1 =	sadd.s32 s1, s30  }
0xc9: {  	s0 =	sor.u32 s4, s0;
	s1 =	sshll.u32 s1, $0x11  }
0xca: {  	s0 =	sor.u32 s1, s0  }
0xcb: {  	s0 =	sadd.s32 $0x8F2B, s0  }
0xcc: {  	[sflag:s0] =	ssyncadd.remote.s32 $0x1  }
0xcd: {  	_ =	sfence.sel $0xFFFF  }
0xce: {  	[dreg:$0x0] =	wrdreg $0xFFFFFFFF;
	(pc) =	sbr.abs _section_cstart, $3  }
0xcf: {  	[dreg:$0x1] =	wrdreg $0xFFFFFFFF  }
0xd0: {  	_ =	task.clear_ibuf [dreg:s22], $0x2FFFF;
	_ =	strace $0x9FFFFFFF  }
0xd1: {  	(tm) =	ssettm $0x7FFFFFFF  }
tec
execute0_lowered:
.L_overlay_start_1:
0x0: {  	(tag) =	ssettag $0x1  }
0x1: {  	s1 =	srdreg.scid;
	s2 =	rddreg [dreg:$0x0]  }
0x2: {  	s0 =	stileid.u32;
	s5 =	rddreg [dreg:$0x1];
	s6 =	simm.s32 $0x1  }
0x3: {  	s9 =	simm.s32 $0x1;
	s10 =	simm.s32 $0x3;
	s1 =	sshll.u32 s1, $0x8  }
0x4: {  	s13 =	simm.s32 $0x0;
	s3 =	sshll.u32 s0, $0x9;
	s4 =	sand.u32 $0x100, s1  }
0x5: {  	s12 =	simm.s32 $0x0;
	s1 =	rddreg [dreg:$0x2];
	s3 =	sor.u32 s3, s4  }
0x6: {  	_ =	strace $0x8000004A;
	s4 =	sadd.s32 $0x400, s5;
	s8 =	ssub.s32 $0x4000, s3  }
.Ltmp0:
0x7: {  	s5 =	sadd.s32 $0x1400, s5;
	s7 =	sand.u32 $0x1F00, s8;
	(pc) =	sbr.rel .LBB2_1-.Ltmp0, $4  }
0x8: {  	[sflag:s6] =	ssyncpa.u1 $0x0;
	s11 =	smov.u32 s3;
	p0 =	sne.s32 s7, $0x0  }
0x9: {  	s8 =	sshrl.u32 s8, $0xD;
	s7 =	simm.s32 $0x2;
	s9 =	simm.s32 @!p0 $0x0  }
0xa: {  	[sflag:s7] =	ssyncpa.u1 $0x0;
	p0 =	por $0x0, $0x0;
	s8 =	sadd.s32 s9, s8  }
0xb: {  	vm0 =	vmmov $0xffff;
	[sflag:s10] =	ssyncpa.u1 $0x0;
	s10 =	simm.s32 $0x0;
	s9 =	sadd.s32 $0x1, s8  }
.LBB2_4:
0xc: {  	v2 =	vnsel vm1, $0x0, v2  }
0xd: {  	vm1 =	vgt.s32 v0, $0x0;
	v2 =	vmin.u32 v2, $0x3FFF  }
0xe: {  	v0 =	vnsel vm1, $0x0, v0  }
0xf: {  	v0 =	vmin.u32 v0, $0x3FFF  }
0x10: {  	[tilespmem:s15], [sflag:$0x1] =	stream.indirect_vreg.gather [hbm4b:s2+s10], $0x1, v1, vm0, $0x4038;
	[tilespmem:$0x400] =	vst v63  }
0x11: {  	(ifvalue) =	ssetifvalue $0x7FFFFFFF  }
0x12: {  	[tilespmem:s16], [sflag:$0x1] =	stream.indirect_vreg.gather [hbm4b:s2+s10], $0x1, v2, vm0, $0x4038;
	[tilespmem:$0x400] =	vst v63  }
0x13: {  	s29 =	sadd.s32 $0x10, s16;
	(ifvalue) =	ssetifvalue $0x7FFFFFFF  }
0x14: {  	[tilespmem:s29], [sflag:$0x1] =	stream.indirect_vreg.gather [hbm4b:s2+s10], $0x1, v0, vm0, $0x4038;
	[tilespmem:$0x400] =	vst v63  }
0x15: {  	_ =	swait.ge [sflag:s6], $0x100  }
0x16: {  	s30 =	sshrl.u32 s13, $0x3;
	[sflag:s6] =	ssyncset.done $0x0  }
0x17: {  	s31 =	sand.u32 $0x7, s13;
	s15 =	sadd.s32 s5, s30;
	[sflag:s6] =	ssyncadd.s32 $0xFFFFFF00  }
0x18: {  	[hbm4b:s15+s31] =	stream.linear.scatter [tilespmem:s14], [sflag:$0x3], $0x100, $0x38;
	[tilespmem:$0x400] =	vst v63  }
.LBB2_5:
0x19: {  	s15 =	sadd.s32 $0x2000, s11  }
0x1a: {  	p2 =	sgt.s32 s15, $0x3FFF  }
0x1b: {  	s15 =	smov.u32 @p2 s3;
	p2 =	sne.s32 s12, s9  }
.Ltmp1:
0x1c: {  	p1 =	slt.u32 s12, $0x2;
	(pc) =	sbr.rel @!p2 .LBB2_6-.Ltmp1, $4  }
0x1d: {  	s14 =	simm.s32 @!p1 $0x3  }
0x1e: {  	s16 =	sadd.s32 $0x1, s12;
	_ =	swait.ge @!p1 [sflag:s14], $0x100  }
0x1f: {  	s13 =	smov.u32 s11;
	p0 =	por !p0, !p0;
	[sflag:s14] =	ssyncset.done @!p1 $0x0  }
0x20: {  	s12 =	smov.u32 s16;
	s11 =	smov.u32 s15;
	[sflag:s14] =	ssyncadd.s32 @!p1 $0xFFFFFF00  }
.LBB2_1:
0x21: {  	p1 =	sge.u32 s12, s8  }
0x22: {  	s14 =	sxor.u32 @!p1 $0xFFFFFFFF, s12  }
0x23: {  	s31 =	sadd.s32 $0xFFFFFFFF, s12;
	s15 =	sshrl.u32 @!p1 s11, $0x3;
	s14 =	sshll.u32 @!p1 s14, $0x8  }
0x24: {  	s16 =	sand.u32 @!p1 $0x7, s11;
	s15 =	sadd.s32 @!p1 s4, s15;
	s14 =	sand.u32 @!p1 $0x100, s14  }
0x25: {  	[tilespmem:s14], [sflag:$0x2] =	stream.linear.gather @!p1 [hbm4b:s15+s16], $0x100, $0x38;
	[tilespmem:$0x400] =	vst v63  }
0x26: {  	p1 =	sge.u32 s31, s8  }
.Ltmp2:
0x27: {  	_ = 	snop;
	(pc) =	sbr.rel @p1 .LBB2_5-.Ltmp2, $1  }
0x28: {  	_ =	sdelay $0x3  }
0x29: {  	s14 =	simm.s32 $0x1  }
0x2a: {  	_ =	swait.ge [sflag:s7], $0x100;
	s14 =	simm.s32 @!p0 $0x0  }
0x2b: {  	[sflag:s7] =	ssyncset.done $0x0;
	s14 =	sshll.u32 s14, $0x8  }
0x2c: {  	[sflag:s7] =	ssyncadd.s32 $0xFFFFFF00;
	(ifvalue) =	ssetifvalue $0x7FFFFFFF;
	v0 =	vld.msk [tilespmem:s14+$0x0 ss:$0x1], $0xffff;
	_ =	sdelay $0x4  }
0x2d: {  	s15 =	sadd.s32 $0x10, s14;
	vm1 =	vgt.s32 v0, $0x0  }
0x2e: {  	v2 =	vld.msk [tilespmem:s15+$0x0 ss:$0x1], $0xffff;
	v1 =	vnsel vm1, $0x0, v0  }
0x2f: {  	v1 =	vmin.u32 v1, $0x3FFF;
	_ =	sdelay $0x1  }
0x30: {  	s16 =	sshll.u32 s12, $0x8;
	s18 =	simm.s32 $0x20  }
0x31: {  	s16 =	sand.u32 $0x100, s16;
	s17 =	sadd.s32 $0x10, s15;
	s15 =	sor.u32 $0x200, s14  }
0x32: {  	s14 =	sor.u32 $0x200, s16;
	s16 =	sadd.s32 $0x10, s15;
	v0 =	vld.msk [tilespmem:s17+$0x0 ss:$0x1], $0xffff;
	vm1 =	vgt.s32 v2, $0x0;
	(ifvalue) =	ssetifvalue $0x7FFFFFFF  }
.LBB2_3:
0x33: {  	[tilespmem:s15], [sflag:$0x1] =	stream.indirect_vreg.gather [hbm4b:s2+s10], $0x1, v1, vm0, $0x4038;
	[tilespmem:$0x400] =	vst v63  }
0x34: {  	s18 =	sadd.s32 $0x10, s18  }
0x35: {  	v2 =	vnsel vm1, $0x0, v2;
	p1 =	slt.u32 s18, $0xF0  }
.Ltmp3:
0x36: {  	s15 =	smov.u32 s16;
	v1 =	vmin.u32 v2, $0x3FFF;
	(pc) =	sbr.rel @p1 .LBB2_3-.Ltmp3, $3  }
0x37: {  	_ =	sdelay $0x1  }
0x38: {  	s17 =	sadd.s32 $0x10, s17  }
0x39: {  	vm1 =	vgt.s32 v0, $0x0;
	s16 =	sadd.s32 $0x10, s16;
	v2 =	vmov v0;
	(ifvalue) =	ssetifvalue $0x7FFFFFFF;
	v0 =	vld.msk [tilespmem:s17+$0x0 ss:$0x1], $0xffff  }
.Ltmp4:
0x3a: {  	_ = 	snop;
	(pc) =	sbr.rel .LBB2_4-.Ltmp4, $1  }
0x3b: {  	_ =	sdelay $0x3  }
.LBB2_6:
0x3c: {  	_ =	sfence.sel $0x180000  }
0x3d: {  	s2 =	simm.s32 $0x2;
	[bflag:$0x0] =	sbarrier.arrive $0xFFFF  }
0x3e: {  	s30 =	simm.s32 $0x3;
	[sflag:s2] =	ssyncpa.u1 $0x1  }
0x3f: {  	s31 =	simm.s32 $0x1;
	[sflag:s30] =	ssyncpa.u1 $0x1  }
0x40: {  	[sflag:s31] =	ssyncpa.u1 $0x1  }
0x41: {  	p0 =	sne.s32 s0, $0x0;
	_ =	strace $0x9000004A  }
0x42: {  	s0 =	sadd.s32 @!p0 $0x100000, s1;
	[bflag:$0x2] =	sbarrier.arrive $0xFFFF  }
0x43: {  	[sflag:s0] =	ssyncadd.tile.s32 @!p0 $0x1;
	_ =	shalt  }
.Lfunc_end2:
_tile_overlayer_lowered:
.L_overlay_start_2:
0x44: {  	(tag) =	ssettag $0x2  }
0x45: {  	s0 =	rddreg [dreg:$0x0];
	s2 =	stileid.u32  }
0x46: {  	s1 =	rddreg [dreg:$0x1];
	p0 =	sne.s32 s2, $0x0  }
0x47: {  	s3 =	rddreg [dreg:$0x2];
	[bflag:$0x3] =	sbarrier.arrive $0xFFFF;
	s2 =	simm.s32 @!p0 $0x1C01  }
0x48: {  	[timem:s3], [sflag:s2] =	dma.local @!p0 [hbm:s0], s1  }
0x49: {  	s0 =	simm.s32 @!p0 $0x1  }
0x4a: {  	_ =	swait.ge @!p0 [sflag:s0], s1  }
0x4b: {  	s1 =	ssub.s32 @!p0 $0x0, s1;
	[sflag:s0] =	ssyncset.done @!p0 $0x0  }
0x4c: {  	[sflag:s0] =	ssyncadd.s32 @!p0 s1  }
0x4d: {  	[bflag:$0x3] =	sbarrier.arrive $0xFFFF  }
0x4e: {  	_ =	shalt  }

// kernel: gather_offload_async_start.2
scs
__scs_entry_jumppad:
0x0: {  	(pc) =	sbr.rel $0x88, $3  }
0x1: {  	(tag) =	ssettag $0x0;
	lr =	simm.s32 $0x1  }
0x2: {  	[smem:$0x3F99] =	sst lr;
	_ =	strace $0xD0000000  }
0x3: {  	_ = 	snop  }
0x4: {  	_ = 	snop  }
0x5: {  	_ = 	snop  }
0x6: {  	_ = 	snop  }
0x7: {  	_ = 	snop  }
__scs_overlays_trampoline_lowered:
0x8: {  	[smem:$0x3FA8] =	sst s0  }
0x9: {  	[smem:$0x3FA9] =	sst s1  }
0xa: {  	[smem:$0x3FAA] =	sst s2  }
0xb: {  	[smem:$0x3FAB] =	sst s3  }
0xc: {  	[smem:$0x3FAC] =	sst s4  }
0xd: {  	[smem:$0x3FAD] =	sst s5  }
0xe: {  	[smem:$0x3FAE] =	sst s6  }
0xf: {  	[smem:$0x3FAF] =	sst s7  }
0x10: {  	[smem:$0x3FB0] =	sst s8  }
0x11: {  	[smem:$0x3FB1] =	sst s9;
	s0 =	simm.s32 @!p0 $0x0  }
0x12: {  	s1 =	sld [smem:$0x3F97];
	s0 =	simm.s32 @p0 $0x1  }
0x13: {  	[smem:$0x3FB2] =	sst s0;
	s0 =	simm.s32 @!p1 $0x0  }
0x14: {  	s2 =	sld [smem:$0x3F96];
	s0 =	simm.s32 @p1 $0x1  }
0x15: {  	[smem:$0x3FB3] =	sst s0;
	s0 =	simm.s32 @!p2 $0x0  }
0x16: {  	s3 =	sld [smem:$0x3FDB];
	s0 =	simm.s32 @p2 $0x1  }
0x17: {  	s4 =	simm.s32 $0x1BF5;
	[smem:$0x3FB5] =	sst s0  }
0x18: {  	s0 =	sld [smem:$0x3F98];
	_ =	swait.ge [sflag:s4], $0x0  }
0x19: {  	s7 =	sld [smem:$0x3F99]  }
0x1a: {  	s8 =	sadd.s32 $0xFFFFE003, lr  }
0x1b: {  	s9 =	sadd.s32 $0xFFFFFEF7, lr;
	s5 =	simm.s32 $0xFFFFFFFF;
	p2 =	slt.u32 s8, $0xFFFFF086  }
0x1c: {  	p1 =	slt.u32 s9, $0xF7A;
	s5 =	simm.s32 @!p2 $0x0  }
0x1d: {  	s5 =	simm.s32 @p1 $0x1;
	p0 =	seq.s32 s7, s2  }
0x1e: {  	s7 =	smul.u32 @!p0 $0xF7A, s2;
	p2 =	seq.s32 @!p0 s5, $0x0  }
0x1f: {  	s9 =	smul.u32 $0xF7A, s1;
	s8 =	simm.s32 @!p0 $0x1BF5;
	p2 =	por !p2, p0  }
0x20: {  	[sflag:s8] =	ssyncset.s32 @!p0 $0xFFFFF086;
	s6 =	sadd.s32 @!p0 s3, s7;
	s7 =	simm.s32 @!p0 $0x108  }
0x21: {  	s3 =	sadd.s32 s3, s9;
	s6 =	sadd.s32 @!p0 $0x88, s6;
	s7 =	simm.s32 @p2 $0x1082  }
0x22: {  	[simem:s7], [sflag:s8] =	dma.local @!p0 [hbm:s6], $0xF7A  }
0x23: {  	s9 =	sor.u32 $0xD0000000, s2;
	s6 =	simm.s32 $0x108;
	_ =	swait.ge @!p0 [sflag:s8], $0x0  }
0x24: {  	s3 =	sadd.s32 $0x88, s3;
	s6 =	simm.s32 @!p1 $0x1082;
	[sflag:s4] =	ssyncset.s32 $0xFFFFF086  }
0x25: {  	[simem:s6], [sflag:s4] =	dma.local [hbm:s3], $0xF7A  }
0x26: {  	[smem:$0x3F99] =	sst s1;
	(tag) =	ssettag s2;
	_ =	strace s9  }
0x27: {  	s1 =	sld [smem:$0x3FA9]  }
0x28: {  	s2 =	sld [smem:$0x3FAA]  }
0x29: {  	s4 =	sld [smem:$0x3FAC]  }
0x2a: {  	p0 =	seq.s32 s5, $0x0;
	s5 =	sld [smem:$0x3FAD]  }
0x2b: {  	s6 =	sld [smem:$0x3FAE]  }
0x2c: {  	s7 =	sld [smem:$0x3FAF]  }
0x2d: {  	s3 =	simm.s32 $0x108;
	s8 =	sld [smem:$0x3FB0]  }
0x2e: {  	s3 =	simm.s32 @!p0 $0x1082;
	s9 =	sld [smem:$0x3FB1]  }
0x2f: {  	lr =	sadd.s32 s0, s3;
	s0 =	sld [smem:$0x3FA8]  }
0x30: {  	s3 =	sld [smem:$0x3FAB]  }
0x31: {  	[smem:$0x3FB4] =	sst s10  }
0x32: {  	s10 =	sld [smem:$0x3FB2];
	_ =	sdelay $0x3  }
0x33: {  	p0 =	seq.s32 s10, $0x1;
	s10 =	sld [smem:$0x3FB4];
	_ =	sdelay $0x3  }
0x34: {  	[smem:$0x3FB4] =	sst s10  }
0x35: {  	s10 =	sld [smem:$0x3FB3];
	_ =	sdelay $0x3  }
0x36: {  	p1 =	seq.s32 s10, $0x1;
	s10 =	sld [smem:$0x3FB4];
	_ =	sdelay $0x3  }
0x37: {  	[smem:$0x3FB4] =	sst s10  }
0x38: {  	s10 =	sld [smem:$0x3FB5]  }
0x39: {  	_ = 	snop;
	(pc) =	sbr.ind lr, $3  }
0x3a: {  	_ = 	snop  }
0x3b: {  	_ = 	snop  }
0x3c: {  	p2 =	seq.s32 s10, $0x1;
	s10 =	sld [smem:$0x3FB4]  }
0x3d: {  	_ =	shalt  }
0x3e: {  	_ =	shalt  }
0x3f: {  	_ =	shalt  }
0x40: {  	_ =	shalt  }
0x41: {  	_ =	shalt  }
0x42: {  	_ =	shalt  }
0x43: {  	_ =	shalt  }
0x44: {  	_ =	shalt  }
0x45: {  	_ =	shalt  }
0x46: {  	_ =	shalt  }
0x47: {  	_ =	shalt  }
0x48: {  	_ =	shalt  }
0x49: {  	_ =	shalt  }
0x4a: {  	_ =	shalt  }
0x4b: {  	_ =	shalt  }
0x4c: {  	_ =	shalt  }
0x4d: {  	_ =	shalt  }
0x4e: {  	_ =	shalt  }
0x4f: {  	_ =	shalt  }
0x50: {  	_ =	shalt  }
0x51: {  	_ =	shalt  }
0x52: {  	_ =	shalt  }
0x53: {  	_ =	shalt  }
0x54: {  	_ =	shalt  }
0x55: {  	_ =	shalt  }
0x56: {  	_ =	shalt  }
0x57: {  	_ =	shalt  }
0x58: {  	_ =	shalt  }
0x59: {  	_ =	shalt  }
0x5a: {  	_ =	shalt  }
0x5b: {  	_ =	shalt  }
0x5c: {  	_ =	shalt  }
0x5d: {  	_ =	shalt  }
0x5e: {  	_ =	shalt  }
0x5f: {  	_ =	shalt  }
0x60: {  	_ =	shalt  }
0x61: {  	_ =	shalt  }
0x62: {  	_ =	shalt  }
0x63: {  	_ =	shalt  }
0x64: {  	_ =	shalt  }
0x65: {  	_ =	shalt  }
0x66: {  	_ =	shalt  }
0x67: {  	_ =	shalt  }
0x68: {  	_ =	shalt  }
0x69: {  	_ =	shalt  }
0x6a: {  	_ =	shalt  }
0x6b: {  	_ =	shalt  }
0x6c: {  	_ =	shalt  }
0x6d: {  	_ =	shalt  }
0x6e: {  	_ =	shalt  }
0x6f: {  	_ =	shalt  }
0x70: {  	_ =	shalt  }
0x71: {  	_ =	shalt  }
0x72: {  	_ =	shalt  }
0x73: {  	_ =	shalt  }
0x74: {  	_ =	shalt  }
0x75: {  	_ =	shalt  }
0x76: {  	_ =	shalt  }
0x77: {  	_ =	shalt  }
0x78: {  	_ =	shalt  }
0x79: {  	_ =	shalt  }
0x7a: {  	_ =	shalt  }
0x7b: {  	_ =	shalt  }
0x7c: {  	_ =	shalt  }
0x7d: {  	_ =	shalt  }
0x7e: {  	_ =	shalt  }
0x7f: {  	_ =	shalt  }
0x80: {  	_ =	shalt  }
0x81: {  	_ =	shalt  }
0x82: {  	_ =	shalt  }
0x83: {  	_ =	shalt  }
0x84: {  	_ =	shalt  }
0x85: {  	_ =	shalt  }
0x86: {  	_ =	shalt  }
0x87: {  	_ =	shalt  }
.Lfunc_end0:
.L_simem_size_0:
called_computation.2_lowered:
.L_overlay_start_0:
0x88: {  	s2 =	sld [smem:$0x3FD9]  }
0x89: {  	s3 =	sld [smem:$0x3FFE];
	_ =	sdelay $0x1  }
0x8a: {  	s1 =	srdreg.scid  }
0x8b: {  	s0 =	sand.u32 $0x1, s1  }
0x8c: {  	s17 =	sshll.u32 s0, $0xA;
	s2 =	sadd.s32 s3, s2  }
0x8d: {  	s2 =	sadd.s32 s2, s17  }
0x8e: {  	[smem:$0x3FC0] =	sst s2  }
0x8f: {  	_ = 	snop  }
0x90: {  	s2 =	sld [smem:$0x3FC6];
	(tm) =	ssettm $0x1  }
0x91: {  	s18 =	sld [smem:$0x3FFB];
	_ =	sdelay $0x3  }
0x92: {  	_ =	strace s18  }
0x93: {  	s3 =	sld [smem:$0x3FFC];
	_ =	sdelay $0x3  }
0x94: {  	_ =	strace s3  }
0x95: {  	s3 =	sld [smem:$0x3FFD];
	_ =	sdelay $0x3  }
0x96: {  	_ =	strace s3  }
0x97: {  	_ =	strace $0x8FFFFFFF  }
0x98: {  	s19 =	sld [smem:$0x3FDB];
	_ =	sdelay $0x1  }
0x99: {  	s4 =	simm.s32 $_scs_section_size  }
0x9a: {  	s5 =	simm.s32 $_size__tile_overlayer_lowered;
	s6 =	simm.s32 $_tile_overlayer_lowered  }
0x9b: {  	s22 =	simm.s32 $0x1BFF;
	s21 =	sshll.u32 s6, $0x1;
	s3 =	sadd.s32 s4, s19  }
0x9c: {  	s7 =	simm.s32 $0x0;
	s20 =	sshll.u32 s5, $0x1;
	s5 =	sadd.s32 s21, s3  }
0x9d: {  	[timem:s7], [sflag:s22] =	dma.local [hbm:s5], s20  }
0x9e: {  	_ =	swait.ge [sflag:s22], s20  }
0x9f: {  	s4 =	ssub.s32 $0x0, s20;
	[sflag:s22] =	ssyncset.done $0x0  }
0xa0: {  	[sflag:s22] =	ssyncadd.s32 s4;
	_ =	sdelay $0x1  }
0xa1: {  	s23 =	simm.s32 $0x1B8B  }
0xa2: {  	_ =	swait.ge [sflag:s23], $0x1  }
0xa3: {  	[sflag:s23] =	ssyncset.done $0x0  }
0xa4: {  	s25 =	simm.s32 $0x1B8E;
	s24 =	sld [smem:$0x3FFE];
	[sflag:s23] =	ssyncadd.s32 $0xFFFFFFFF  }
0xa5: {  	s26 =	simm.s32 $execute0_lowered;
	[smem:$0x3FD2] =	sst s25  }
0xa6: {  	s5 =	sshll.u32 s26, $0x1;
	_ =	strace $0x80000046;
	[dreg:$0x1] =	wrdreg $0xFFFFFFFF  }
0xa7: {  	s28 =	simm.s32 $_size_execute0_lowered;
	s3 =	sadd.s32 s3, s5;
	[dreg:$0x0] =	wrdreg $0x0  }
0xa8: {  	s5 =	sshll.u32 s28, $0x1;
	[dreg:$0x2] =	wrdreg s3  }
0xa9: {  	[dreg:$0x3] =	wrdreg s5  }
0xaa: {  	[dreg:$0x4] =	wrdreg $0xC0  }
0xab: {  	_ =	task [dreg:s7], $0x5FFFF  }
0xac: {  	[dreg:$0x1] =	wrdreg $0xFFFFFFFF  }
0xad: {  	[dreg:$0x0] =	wrdreg $0x60  }
0xae: {  	[dreg:$0x2] =	wrdreg s2  }
0xaf: {  	[dreg:$0x3] =	wrdreg s24  }
0xb0: {  	[dreg:$0x4] =	wrdreg $0xB  }
0xb1: {  	_ =	task.clear_ibuf [dreg:s7], $0x5FFFF;
	_ =	strace $0x90000046  }
0xb2: {  	s29 =	simm.s32 $0xB;
	_ =	strace $0x80000048  }
0xb3: {  	_ =	swait.ge [sflag:s29], $0x1  }
0xb4: {  	[sflag:s29] =	ssyncadd.s32 $0xFFFFFFFF  }
0xb5: {  	_ =	strace $0x90000048  }
0xb6: {  	_ =	sfence  }
0xb7: {  	s30 =	sld [smem:$0x0];
	_ =	sdelay $0x2  }
0xb8: {  	s31 =	sshll.u32 s1, $0xD;
	s1 =	sshrl.u32 s1, $0x2  }
0xb9: {  	s3 =	sand.u32 $0x4000, s31;
	s1 =	sadd.s32 s1, s30  }
0xba: {  	s0 =	sor.u32 s3, s0;
	s1 =	sshll.u32 s1, $0x11  }
0xbb: {  	s0 =	sor.u32 s1, s0  }
0xbc: {  	s0 =	sadd.s32 $0x8F2B, s0  }
0xbd: {  	[sflag:s0] =	ssyncadd.remote.s32 $0x1  }
0xbe: {  	_ =	sfence.sel $0xFFFF  }
0xbf: {  	[dreg:$0x0] =	wrdreg $0xFFFFFFFF;
	(pc) =	sbr.abs _section_cstart, $3  }
0xc0: {  	[dreg:$0x1] =	wrdreg $0xFFFFFFFF  }
0xc1: {  	_ =	task.clear_ibuf [dreg:s7], $0x2FFFF;
	_ =	strace $0x9FFFFFFF  }
0xc2: {  	(tm) =	ssettm $0x7FFFFFFF  }
0xc3: {  	_ =	shalt  }
tec
execute0_lowered:
.L_overlay_start_1:
0x0: {  	(tag) =	ssettag $0x1  }
0x1: {  	s1 =	srdreg.scid;
	s2 =	rddreg [dreg:$0x0]  }
0x2: {  	s0 =	stileid.u32;
	s5 =	rddreg [dreg:$0x1];
	s6 =	simm.s32 $0x1  }
0x3: {  	s9 =	simm.s32 $0x1;
	s10 =	simm.s32 $0x3;
	s1 =	sshll.u32 s1, $0x8  }
0x4: {  	s13 =	simm.s32 $0x0;
	s3 =	sshll.u32 s0, $0x9;
	s4 =	sand.u32 $0x100, s1  }
0x5: {  	s12 =	simm.s32 $0x0;
	s1 =	rddreg [dreg:$0x2];
	s3 =	sor.u32 s3, s4  }
0x6: {  	_ =	strace $0x80000047;
	s4 =	sadd.s32 $0x400, s5;
	s8 =	ssub.s32 $0x4000, s3  }
.Ltmp0:
0x7: {  	s5 =	sadd.s32 $0xC00, s5;
	s7 =	sand.u32 $0x1F00, s8;
	(pc) =	sbr.rel .LBB2_1-.Ltmp0, $4  }
0x8: {  	[sflag:s6] =	ssyncpa.u1 $0x0;
	s11 =	smov.u32 s3;
	p0 =	sne.s32 s7, $0x0  }
0x9: {  	s8 =	sshrl.u32 s8, $0xD;
	s7 =	simm.s32 $0x2;
	s9 =	simm.s32 @!p0 $0x0  }
0xa: {  	[sflag:s7] =	ssyncpa.u1 $0x0;
	p0 =	por $0x0, $0x0;
	s8 =	sadd.s32 s9, s8  }
0xb: {  	vm0 =	vmmov $0xffff;
	[sflag:s10] =	ssyncpa.u1 $0x0;
	s10 =	simm.s32 $0x0;
	s9 =	sadd.s32 $0x1, s8  }
.LBB2_4:
0xc: {  	v2 =	vnsel vm1, $0x0, v2  }
0xd: {  	vm1 =	vgt.s32 v0, $0x0;
	v2 =	vmin.u32 v2, $0x3FFF  }
0xe: {  	v0 =	vnsel vm1, $0x0, v0  }
0xf: {  	v0 =	vmin.u32 v0, $0x3FFF  }
0x10: {  	[tilespmem:s15], [sflag:$0x1] =	stream.indirect_vreg.gather [hbm4b:s2+s10], $0x1, v1, vm0, $0x4038;
	[tilespmem:$0x400] =	vst v63  }
0x11: {  	(ifvalue) =	ssetifvalue $0x7FFFFFFF  }
0x12: {  	[tilespmem:s16], [sflag:$0x1] =	stream.indirect_vreg.gather [hbm4b:s2+s10], $0x1, v2, vm0, $0x4038;
	[tilespmem:$0x400] =	vst v63  }
0x13: {  	s29 =	sadd.s32 $0x10, s16;
	(ifvalue) =	ssetifvalue $0x7FFFFFFF  }
0x14: {  	[tilespmem:s29], [sflag:$0x1] =	stream.indirect_vreg.gather [hbm4b:s2+s10], $0x1, v0, vm0, $0x4038;
	[tilespmem:$0x400] =	vst v63  }
0x15: {  	_ =	swait.ge [sflag:s6], $0x100  }
0x16: {  	s30 =	sshrl.u32 s13, $0x3;
	[sflag:s6] =	ssyncset.done $0x0  }
0x17: {  	s31 =	sand.u32 $0x7, s13;
	s15 =	sadd.s32 s5, s30;
	[sflag:s6] =	ssyncadd.s32 $0xFFFFFF00  }
0x18: {  	[hbm4b:s15+s31] =	stream.linear.scatter [tilespmem:s14], [sflag:$0x3], $0x100, $0x38;
	[tilespmem:$0x400] =	vst v63  }
.LBB2_5:
0x19: {  	s15 =	sadd.s32 $0x2000, s11  }
0x1a: {  	p2 =	sgt.s32 s15, $0x3FFF  }
0x1b: {  	s15 =	smov.u32 @p2 s3;
	p2 =	sne.s32 s12, s9  }
.Ltmp1:
0x1c: {  	p1 =	slt.u32 s12, $0x2;
	(pc) =	sbr.rel @!p2 .LBB2_6-.Ltmp1, $4  }
0x1d: {  	s14 =	simm.s32 @!p1 $0x3  }
0x1e: {  	s16 =	sadd.s32 $0x1, s12;
	_ =	swait.ge @!p1 [sflag:s14], $0x100  }
0x1f: {  	s13 =	smov.u32 s11;
	p0 =	por !p0, !p0;
	[sflag:s14] =	ssyncset.done @!p1 $0x0  }
0x20: {  	s12 =	smov.u32 s16;
	s11 =	smov.u32 s15;
	[sflag:s14] =	ssyncadd.s32 @!p1 $0xFFFFFF00  }
.LBB2_1:
0x21: {  	p1 =	sge.u32 s12, s8  }
0x22: {  	s14 =	sxor.u32 @!p1 $0xFFFFFFFF, s12  }
0x23: {  	s31 =	sadd.s32 $0xFFFFFFFF, s12;
	s15 =	sshrl.u32 @!p1 s11, $0x3;
	s14 =	sshll.u32 @!p1 s14, $0x8  }
0x24: {  	s16 =	sand.u32 @!p1 $0x7, s11;
	s15 =	sadd.s32 @!p1 s4, s15;
	s14 =	sand.u32 @!p1 $0x100, s14  }
0x25: {  	[tilespmem:s14], [sflag:$0x2] =	stream.linear.gather @!p1 [hbm4b:s15+s16], $0x100, $0x38;
	[tilespmem:$0x400] =	vst v63  }
0x26: {  	p1 =	sge.u32 s31, s8  }
.Ltmp2:
0x27: {  	_ = 	snop;
	(pc) =	sbr.rel @p1 .LBB2_5-.Ltmp2, $1  }
0x28: {  	_ =	sdelay $0x3  }
0x29: {  	s14 =	simm.s32 $0x1  }
0x2a: {  	_ =	swait.ge [sflag:s7], $0x100;
	s14 =	simm.s32 @!p0 $0x0  }
0x2b: {  	[sflag:s7] =	ssyncset.done $0x0;
	s14 =	sshll.u32 s14, $0x8  }
0x2c: {  	[sflag:s7] =	ssyncadd.s32 $0xFFFFFF00;
	(ifvalue) =	ssetifvalue $0x7FFFFFFF;
	v0 =	vld.msk [tilespmem:s14+$0x0 ss:$0x1], $0xffff;
	_ =	sdelay $0x4  }
0x2d: {  	s15 =	sadd.s32 $0x10, s14;
	vm1 =	vgt.s32 v0, $0x0  }
0x2e: {  	v2 =	vld.msk [tilespmem:s15+$0x0 ss:$0x1], $0xffff;
	v1 =	vnsel vm1, $0x0, v0  }
0x2f: {  	v1 =	vmin.u32 v1, $0x3FFF;
	_ =	sdelay $0x1  }
0x30: {  	s16 =	sshll.u32 s12, $0x8;
	s18 =	simm.s32 $0x20  }
0x31: {  	s16 =	sand.u32 $0x100, s16;
	s17 =	sadd.s32 $0x10, s15;
	s15 =	sor.u32 $0x200, s14  }
0x32: {  	s14 =	sor.u32 $0x200, s16;
	s16 =	sadd.s32 $0x10, s15;
	v0 =	vld.msk [tilespmem:s17+$0x0 ss:$0x1], $0xffff;
	vm1 =	vgt.s32 v2, $0x0;
	(ifvalue) =	ssetifvalue $0x7FFFFFFF  }
.LBB2_3:
0x33: {  	[tilespmem:s15], [sflag:$0x1] =	stream.indirect_vreg.gather [hbm4b:s2+s10], $0x1, v1, vm0, $0x4038;
	[tilespmem:$0x400] =	vst v63  }
0x34: {  	s18 =	sadd.s32 $0x10, s18  }
0x35: {  	v2 =	vnsel vm1, $0x0, v2;
	p1 =	slt.u32 s18, $0xF0  }
.Ltmp3:
0x36: {  	s15 =	smov.u32 s16;
	v1 =	vmin.u32 v2, $0x3FFF;
	(pc) =	sbr.rel @p1 .LBB2_3-.Ltmp3, $3  }
0x37: {  	_ =	sdelay $0x1  }
0x38: {  	s17 =	sadd.s32 $0x10, s17  }
0x39: {  	vm1 =	vgt.s32 v0, $0x0;
	s16 =	sadd.s32 $0x10, s16;
	v2 =	vmov v0;
	(ifvalue) =	ssetifvalue $0x7FFFFFFF;
	v0 =	vld.msk [tilespmem:s17+$0x0 ss:$0x1], $0xffff  }
.Ltmp4:
0x3a: {  	_ = 	snop;
	(pc) =	sbr.rel .LBB2_4-.Ltmp4, $1  }
0x3b: {  	_ =	sdelay $0x3  }
.LBB2_6:
0x3c: {  	_ =	sfence.sel $0x180000  }
0x3d: {  	s2 =	simm.s32 $0x2;
	[bflag:$0x0] =	sbarrier.arrive $0xFFFF  }
0x3e: {  	s30 =	simm.s32 $0x3;
	[sflag:s2] =	ssyncpa.u1 $0x1  }
0x3f: {  	s31 =	simm.s32 $0x1;
	[sflag:s30] =	ssyncpa.u1 $0x1  }
0x40: {  	[sflag:s31] =	ssyncpa.u1 $0x1  }
0x41: {  	p0 =	sne.s32 s0, $0x0;
	_ =	strace $0x90000047  }
0x42: {  	s0 =	sadd.s32 @!p0 $0x100000, s1;
	[bflag:$0x2] =	sbarrier.arrive $0xFFFF  }
0x43: {  	[sflag:s0] =	ssyncadd.tile.s32 @!p0 $0x1;
	_ =	shalt  }
.Lfunc_end2:
_tile_overlayer_lowered:
.L_overlay_start_2:
0x44: {  	(tag) =	ssettag $0x2  }
0x45: {  	s0 =	rddreg [dreg:$0x0];
	s2 =	stileid.u32  }
0x46: {  	s1 =	rddreg [dreg:$0x1];
	p0 =	sne.s32 s2, $0x0  }
0x47: {  	s3 =	rddreg [dreg:$0x2];
	[bflag:$0x3] =	sbarrier.arrive $0xFFFF;
	s2 =	simm.s32 @!p0 $0x1C01  }
0x48: {  	[timem:s3], [sflag:s2] =	dma.local @!p0 [hbm:s0], s1  }
0x49: {  	s0 =	simm.s32 @!p0 $0x1  }
0x4a: {  	_ =	swait.ge @!p0 [sflag:s0], s1  }
0x4b: {  	s1 =	ssub.s32 @!p0 $0x0, s1;
	[sflag:s0] =	ssyncset.done @!p0 $0x0  }
0x4c: {  	[sflag:s0] =	ssyncadd.s32 @!p0 s1  }
0x4d: {  	[bflag:$0x3] =	sbarrier.arrive $0xFFFF  }
0x4e: {  	_ =	shalt  }

// kernel: gather_offload_async_start.3
scs
__scs_entry_jumppad:
0x0: {  	(pc) =	sbr.rel $0x88, $3  }
0x1: {  	(tag) =	ssettag $0x0;
	lr =	simm.s32 $0x1  }
0x2: {  	[smem:$0x3F99] =	sst lr;
	_ =	strace $0xD0000000  }
0x3: {  	_ = 	snop  }
0x4: {  	_ = 	snop  }
0x5: {  	_ = 	snop  }
0x6: {  	_ = 	snop  }
0x7: {  	_ = 	snop  }
__scs_overlays_trampoline_lowered:
0x8: {  	[smem:$0x3FA8] =	sst s0  }
0x9: {  	[smem:$0x3FA9] =	sst s1  }
0xa: {  	[smem:$0x3FAA] =	sst s2  }
0xb: {  	[smem:$0x3FAB] =	sst s3  }
0xc: {  	[smem:$0x3FAC] =	sst s4  }
0xd: {  	[smem:$0x3FAD] =	sst s5  }
0xe: {  	[smem:$0x3FAE] =	sst s6  }
0xf: {  	[smem:$0x3FAF] =	sst s7  }
0x10: {  	[smem:$0x3FB0] =	sst s8  }
0x11: {  	[smem:$0x3FB1] =	sst s9;
	s0 =	simm.s32 @!p0 $0x0  }
0x12: {  	s1 =	sld [smem:$0x3F97];
	s0 =	simm.s32 @p0 $0x1  }
0x13: {  	[smem:$0x3FB2] =	sst s0;
	s0 =	simm.s32 @!p1 $0x0  }
0x14: {  	s2 =	sld [smem:$0x3F96];
	s0 =	simm.s32 @p1 $0x1  }
0x15: {  	[smem:$0x3FB3] =	sst s0;
	s0 =	simm.s32 @!p2 $0x0  }
0x16: {  	s3 =	sld [smem:$0x3FDB];
	s0 =	simm.s32 @p2 $0x1  }
0x17: {  	s4 =	simm.s32 $0x1BF5;
	[smem:$0x3FB5] =	sst s0  }
0x18: {  	s0 =	sld [smem:$0x3F98];
	_ =	swait.ge [sflag:s4], $0x0  }
0x19: {  	s7 =	sld [smem:$0x3F99]  }
0x1a: {  	s8 =	sadd.s32 $0xFFFFE003, lr  }
0x1b: {  	s9 =	sadd.s32 $0xFFFFFEF7, lr;
	s5 =	simm.s32 $0xFFFFFFFF;
	p2 =	slt.u32 s8, $0xFFFFF086  }
0x1c: {  	p1 =	slt.u32 s9, $0xF7A;
	s5 =	simm.s32 @!p2 $0x0  }
0x1d: {  	s5 =	simm.s32 @p1 $0x1;
	p0 =	seq.s32 s7, s2  }
0x1e: {  	s7 =	smul.u32 @!p0 $0xF7A, s2;
	p2 =	seq.s32 @!p0 s5, $0x0  }
0x1f: {  	s9 =	smul.u32 $0xF7A, s1;
	s8 =	simm.s32 @!p0 $0x1BF5;
	p2 =	por !p2, p0  }
0x20: {  	[sflag:s8] =	ssyncset.s32 @!p0 $0xFFFFF086;
	s6 =	sadd.s32 @!p0 s3, s7;
	s7 =	simm.s32 @!p0 $0x108  }
0x21: {  	s3 =	sadd.s32 s3, s9;
	s6 =	sadd.s32 @!p0 $0x88, s6;
	s7 =	simm.s32 @p2 $0x1082  }
0x22: {  	[simem:s7], [sflag:s8] =	dma.local @!p0 [hbm:s6], $0xF7A  }
0x23: {  	s9 =	sor.u32 $0xD0000000, s2;
	s6 =	simm.s32 $0x108;
	_ =	swait.ge @!p0 [sflag:s8], $0x0  }
0x24: {  	s3 =	sadd.s32 $0x88, s3;
	s6 =	simm.s32 @!p1 $0x1082;
	[sflag:s4] =	ssyncset.s32 $0xFFFFF086  }
0x25: {  	[simem:s6], [sflag:s4] =	dma.local [hbm:s3], $0xF7A  }
0x26: {  	[smem:$0x3F99] =	sst s1;
	(tag) =	ssettag s2;
	_ =	strace s9  }
0x27: {  	s1 =	sld [smem:$0x3FA9]  }
0x28: {  	s2 =	sld [smem:$0x3FAA]  }
0x29: {  	s4 =	sld [smem:$0x3FAC]  }
0x2a: {  	p0 =	seq.s32 s5, $0x0;
	s5 =	sld [smem:$0x3FAD]  }
0x2b: {  	s6 =	sld [smem:$0x3FAE]  }
0x2c: {  	s7 =	sld [smem:$0x3FAF]  }
0x2d: {  	s3 =	simm.s32 $0x108;
	s8 =	sld [smem:$0x3FB0]  }
0x2e: {  	s3 =	simm.s32 @!p0 $0x1082;
	s9 =	sld [smem:$0x3FB1]  }
0x2f: {  	lr =	sadd.s32 s0, s3;
	s0 =	sld [smem:$0x3FA8]  }
0x30: {  	s3 =	sld [smem:$0x3FAB]  }
0x31: {  	[smem:$0x3FB4] =	sst s10  }
0x32: {  	s10 =	sld [smem:$0x3FB2];
	_ =	sdelay $0x3  }
0x33: {  	p0 =	seq.s32 s10, $0x1;
	s10 =	sld [smem:$0x3FB4];
	_ =	sdelay $0x3  }
0x34: {  	[smem:$0x3FB4] =	sst s10  }
0x35: {  	s10 =	sld [smem:$0x3FB3];
	_ =	sdelay $0x3  }
0x36: {  	p1 =	seq.s32 s10, $0x1;
	s10 =	sld [smem:$0x3FB4];
	_ =	sdelay $0x3  }
0x37: {  	[smem:$0x3FB4] =	sst s10  }
0x38: {  	s10 =	sld [smem:$0x3FB5]  }
0x39: {  	_ = 	snop;
	(pc) =	sbr.ind lr, $3  }
0x3a: {  	_ = 	snop  }
0x3b: {  	_ = 	snop  }
0x3c: {  	p2 =	seq.s32 s10, $0x1;
	s10 =	sld [smem:$0x3FB4]  }
0x3d: {  	_ =	shalt  }
0x3e: {  	_ =	shalt  }
0x3f: {  	_ =	shalt  }
0x40: {  	_ =	shalt  }
0x41: {  	_ =	shalt  }
0x42: {  	_ =	shalt  }
0x43: {  	_ =	shalt  }
0x44: {  	_ =	shalt  }
0x45: {  	_ =	shalt  }
0x46: {  	_ =	shalt  }
0x47: {  	_ =	shalt  }
0x48: {  	_ =	shalt  }
0x49: {  	_ =	shalt  }
0x4a: {  	_ =	shalt  }
0x4b: {  	_ =	shalt  }
0x4c: {  	_ =	shalt  }
0x4d: {  	_ =	shalt  }
0x4e: {  	_ =	shalt  }
0x4f: {  	_ =	shalt  }
0x50: {  	_ =	shalt  }
0x51: {  	_ =	shalt  }
0x52: {  	_ =	shalt  }
0x53: {  	_ =	shalt  }
0x54: {  	_ =	shalt  }
0x55: {  	_ =	shalt  }
0x56: {  	_ =	shalt  }
0x57: {  	_ =	shalt  }
0x58: {  	_ =	shalt  }
0x59: {  	_ =	shalt  }
0x5a: {  	_ =	shalt  }
0x5b: {  	_ =	shalt  }
0x5c: {  	_ =	shalt  }
0x5d: {  	_ =	shalt  }
0x5e: {  	_ =	shalt  }
0x5f: {  	_ =	shalt  }
0x60: {  	_ =	shalt  }
0x61: {  	_ =	shalt  }
0x62: {  	_ =	shalt  }
0x63: {  	_ =	shalt  }
0x64: {  	_ =	shalt  }
0x65: {  	_ =	shalt  }
0x66: {  	_ =	shalt  }
0x67: {  	_ =	shalt  }
0x68: {  	_ =	shalt  }
0x69: {  	_ =	shalt  }
0x6a: {  	_ =	shalt  }
0x6b: {  	_ =	shalt  }
0x6c: {  	_ =	shalt  }
0x6d: {  	_ =	shalt  }
0x6e: {  	_ =	shalt  }
0x6f: {  	_ =	shalt  }
0x70: {  	_ =	shalt  }
0x71: {  	_ =	shalt  }
0x72: {  	_ =	shalt  }
0x73: {  	_ =	shalt  }
0x74: {  	_ =	shalt  }
0x75: {  	_ =	shalt  }
0x76: {  	_ =	shalt  }
0x77: {  	_ =	shalt  }
0x78: {  	_ =	shalt  }
0x79: {  	_ =	shalt  }
0x7a: {  	_ =	shalt  }
0x7b: {  	_ =	shalt  }
0x7c: {  	_ =	shalt  }
0x7d: {  	_ =	shalt  }
0x7e: {  	_ =	shalt  }
0x7f: {  	_ =	shalt  }
0x80: {  	_ =	shalt  }
0x81: {  	_ =	shalt  }
0x82: {  	_ =	shalt  }
0x83: {  	_ =	shalt  }
0x84: {  	_ =	shalt  }
0x85: {  	_ =	shalt  }
0x86: {  	_ =	shalt  }
0x87: {  	_ =	shalt  }
.Lfunc_end0:
.L_simem_size_0:
called_computation.3_lowered:
.L_overlay_start_0:
0x88: {  	s2 =	sld [smem:$0x3FD9]  }
0x89: {  	s3 =	sld [smem:$0x3FFE];
	_ =	sdelay $0x1  }
0x8a: {  	s1 =	srdreg.scid  }
0x8b: {  	s0 =	sand.u32 $0x1, s1  }
0x8c: {  	s17 =	sshll.u32 s0, $0xA;
	s2 =	sadd.s32 s3, s2  }
0x8d: {  	s2 =	sadd.s32 s2, s17  }
0x8e: {  	[smem:$0x3FC0] =	sst s2  }
0x8f: {  	_ = 	snop  }
0x90: {  	s2 =	sld [smem:$0x3FC8];
	(tm) =	ssettm $0x1  }
0x91: {  	s18 =	sld [smem:$0x3FFB];
	_ =	sdelay $0x3  }
0x92: {  	_ =	strace s18  }
0x93: {  	s3 =	sld [smem:$0x3FFC];
	_ =	sdelay $0x3  }
0x94: {  	_ =	strace s3  }
0x95: {  	s3 =	sld [smem:$0x3FFD];
	_ =	sdelay $0x3  }
0x96: {  	_ =	strace s3  }
0x97: {  	_ =	strace $0x8FFFFFFF  }
0x98: {  	s19 =	sld [smem:$0x3FDB];
	_ =	sdelay $0x1  }
0x99: {  	s4 =	simm.s32 $_scs_section_size  }
0x9a: {  	s5 =	simm.s32 $_size__tile_overlayer_lowered;
	s6 =	simm.s32 $_tile_overlayer_lowered  }
0x9b: {  	s22 =	simm.s32 $0x1BFF;
	s21 =	sshll.u32 s6, $0x1;
	s3 =	sadd.s32 s4, s19  }
0x9c: {  	s7 =	simm.s32 $0x0;
	s20 =	sshll.u32 s5, $0x1;
	s5 =	sadd.s32 s21, s3  }
0x9d: {  	[timem:s7], [sflag:s22] =	dma.local [hbm:s5], s20  }
0x9e: {  	_ =	swait.ge [sflag:s22], s20  }
0x9f: {  	s4 =	ssub.s32 $0x0, s20;
	[sflag:s22] =	ssyncset.done $0x0  }
0xa0: {  	[sflag:s22] =	ssyncadd.s32 s4;
	_ =	sdelay $0x1  }
0xa1: {  	s23 =	simm.s32 $0x1B8B  }
0xa2: {  	_ =	swait.ge [sflag:s23], $0x1  }
0xa3: {  	[sflag:s23] =	ssyncset.done $0x0  }
0xa4: {  	s25 =	simm.s32 $0x1B8E;
	s24 =	sld [smem:$0x3FFE];
	[sflag:s23] =	ssyncadd.s32 $0xFFFFFFFF  }
0xa5: {  	s26 =	simm.s32 $execute0_lowered;
	[smem:$0x3FD2] =	sst s25  }
0xa6: {  	s5 =	sshll.u32 s26, $0x1;
	_ =	strace $0x8000004F;
	[dreg:$0x1] =	wrdreg $0xFFFFFFFF  }
0xa7: {  	s28 =	simm.s32 $_size_execute0_lowered;
	s3 =	sadd.s32 s3, s5;
	[dreg:$0x0] =	wrdreg $0x0  }
0xa8: {  	s5 =	sshll.u32 s28, $0x1;
	[dreg:$0x2] =	wrdreg s3  }
0xa9: {  	[dreg:$0x3] =	wrdreg s5  }
0xaa: {  	[dreg:$0x4] =	wrdreg $0xC0  }
0xab: {  	_ =	task [dreg:s7], $0x5FFFF  }
0xac: {  	[dreg:$0x1] =	wrdreg $0xFFFFFFFF  }
0xad: {  	[dreg:$0x0] =	wrdreg $0x60  }
0xae: {  	[dreg:$0x2] =	wrdreg s2  }
0xaf: {  	[dreg:$0x3] =	wrdreg s24  }
0xb0: {  	[dreg:$0x4] =	wrdreg $0x9  }
0xb1: {  	_ =	task.clear_ibuf [dreg:s7], $0x5FFFF;
	_ =	strace $0x9000004F  }
0xb2: {  	s29 =	simm.s32 $0x9;
	_ =	strace $0x80000051  }
0xb3: {  	_ =	swait.ge [sflag:s29], $0x1  }
0xb4: {  	[sflag:s29] =	ssyncadd.s32 $0xFFFFFFFF  }
0xb5: {  	_ =	strace $0x90000051  }
0xb6: {  	_ =	sfence  }
0xb7: {  	s30 =	sld [smem:$0x0];
	_ =	sdelay $0x2  }
0xb8: {  	s31 =	sshll.u32 s1, $0xD;
	s1 =	sshrl.u32 s1, $0x2  }
0xb9: {  	s3 =	sand.u32 $0x4000, s31;
	s1 =	sadd.s32 s1, s30  }
0xba: {  	s0 =	sor.u32 s3, s0;
	s1 =	sshll.u32 s1, $0x11  }
0xbb: {  	s0 =	sor.u32 s1, s0  }
0xbc: {  	s0 =	sadd.s32 $0x8F2B, s0  }
0xbd: {  	[sflag:s0] =	ssyncadd.remote.s32 $0x1  }
0xbe: {  	_ =	sfence.sel $0xFFFF  }
0xbf: {  	[dreg:$0x0] =	wrdreg $0xFFFFFFFF;
	(pc) =	sbr.abs _section_cstart, $3  }
0xc0: {  	[dreg:$0x1] =	wrdreg $0xFFFFFFFF  }
0xc1: {  	_ =	task.clear_ibuf [dreg:s7], $0x2FFFF;
	_ =	strace $0x9FFFFFFF  }
0xc2: {  	(tm) =	ssettm $0x7FFFFFFF  }
0xc3: {  	_ =	shalt  }
tec
execute0_lowered:
.L_overlay_start_1:
0x0: {  	(tag) =	ssettag $0x1  }
0x1: {  	s1 =	srdreg.scid;
	s2 =	rddreg [dreg:$0x0]  }
0x2: {  	s0 =	stileid.u32;
	s5 =	rddreg [dreg:$0x1];
	s6 =	simm.s32 $0x1  }
0x3: {  	s9 =	simm.s32 $0x1;
	s10 =	simm.s32 $0x3;
	s1 =	sshll.u32 s1, $0x8  }
0x4: {  	s13 =	simm.s32 $0x0;
	s3 =	sshll.u32 s0, $0x9;
	s4 =	sand.u32 $0x100, s1  }
0x5: {  	s12 =	simm.s32 $0x0;
	s1 =	rddreg [dreg:$0x2];
	s3 =	sor.u32 s3, s4  }
0x6: {  	_ =	strace $0x80000050;
	s4 =	sadd.s32 $0x400, s5;
	s8 =	ssub.s32 $0x4000, s3  }
.Ltmp0:
0x7: {  	s5 =	sadd.s32 $0xC00, s5;
	s7 =	sand.u32 $0x1F00, s8;
	(pc) =	sbr.rel .LBB2_1-.Ltmp0, $4  }
0x8: {  	[sflag:s6] =	ssyncpa.u1 $0x0;
	s11 =	smov.u32 s3;
	p0 =	sne.s32 s7, $0x0  }
0x9: {  	s8 =	sshrl.u32 s8, $0xD;
	s7 =	simm.s32 $0x2;
	s9 =	simm.s32 @!p0 $0x0  }
0xa: {  	[sflag:s7] =	ssyncpa.u1 $0x0;
	p0 =	por $0x0, $0x0;
	s8 =	sadd.s32 s9, s8  }
0xb: {  	vm0 =	vmmov $0xffff;
	[sflag:s10] =	ssyncpa.u1 $0x0;
	s10 =	simm.s32 $0x0;
	s9 =	sadd.s32 $0x1, s8  }
.LBB2_4:
0xc: {  	v2 =	vnsel vm1, $0x0, v2  }
0xd: {  	vm1 =	vgt.s32 v0, $0x0;
	v2 =	vmin.u32 v2, $0x3FFF  }
0xe: {  	v0 =	vnsel vm1, $0x0, v0  }
0xf: {  	v0 =	vmin.u32 v0, $0x3FFF  }
0x10: {  	[tilespmem:s15], [sflag:$0x1] =	stream.indirect_vreg.gather [hbm4b:s2+s10], $0x1, v1, vm0, $0x4038;
	[tilespmem:$0x400] =	vst v63  }
0x11: {  	(ifvalue) =	ssetifvalue $0x7FFFFFFF  }
0x12: {  	[tilespmem:s16], [sflag:$0x1] =	stream.indirect_vreg.gather [hbm4b:s2+s10], $0x1, v2, vm0, $0x4038;
	[tilespmem:$0x400] =	vst v63  }
0x13: {  	s29 =	sadd.s32 $0x10, s16;
	(ifvalue) =	ssetifvalue $0x7FFFFFFF  }
0x14: {  	[tilespmem:s29], [sflag:$0x1] =	stream.indirect_vreg.gather [hbm4b:s2+s10], $0x1, v0, vm0, $0x4038;
	[tilespmem:$0x400] =	vst v63  }
0x15: {  	_ =	swait.ge [sflag:s6], $0x100  }
0x16: {  	s30 =	sshrl.u32 s13, $0x3;
	[sflag:s6] =	ssyncset.done $0x0  }
0x17: {  	s31 =	sand.u32 $0x7, s13;
	s15 =	sadd.s32 s5, s30;
	[sflag:s6] =	ssyncadd.s32 $0xFFFFFF00  }
0x18: {  	[hbm4b:s15+s31] =	stream.linear.scatter [tilespmem:s14], [sflag:$0x3], $0x100, $0x38;
	[tilespmem:$0x400] =	vst v63  }
.LBB2_5:
0x19: {  	s15 =	sadd.s32 $0x2000, s11  }
0x1a: {  	p2 =	sgt.s32 s15, $0x3FFF  }
0x1b: {  	s15 =	smov.u32 @p2 s3;
	p2 =	sne.s32 s12, s9  }
.Ltmp1:
0x1c: {  	p1 =	slt.u32 s12, $0x2;
	(pc) =	sbr.rel @!p2 .LBB2_6-.Ltmp1, $4  }
0x1d: {  	s14 =	simm.s32 @!p1 $0x3  }
0x1e: {  	s16 =	sadd.s32 $0x1, s12;
	_ =	swait.ge @!p1 [sflag:s14], $0x100  }
0x1f: {  	s13 =	smov.u32 s11;
	p0 =	por !p0, !p0;
	[sflag:s14] =	ssyncset.done @!p1 $0x0  }
0x20: {  	s12 =	smov.u32 s16;
	s11 =	smov.u32 s15;
	[sflag:s14] =	ssyncadd.s32 @!p1 $0xFFFFFF00  }
.LBB2_1:
0x21: {  	p1 =	sge.u32 s12, s8  }
0x22: {  	s14 =	sxor.u32 @!p1 $0xFFFFFFFF, s12  }
0x23: {  	s31 =	sadd.s32 $0xFFFFFFFF, s12;
	s15 =	sshrl.u32 @!p1 s11, $0x3;
	s14 =	sshll.u32 @!p1 s14, $0x8  }
0x24: {  	s16 =	sand.u32 @!p1 $0x7, s11;
	s15 =	sadd.s32 @!p1 s4, s15;
	s14 =	sand.u32 @!p1 $0x100, s14  }
0x25: {  	[tilespmem:s14], [sflag:$0x2] =	stream.linear.gather @!p1 [hbm4b:s15+s16], $0x100, $0x38;
	[tilespmem:$0x400] =	vst v63  }
0x26: {  	p1 =	sge.u32 s31, s8  }
.Ltmp2:
0x27: {  	_ = 	snop;
	(pc) =	sbr.rel @p1 .LBB2_5-.Ltmp2, $1  }
0x28: {  	_ =	sdelay $0x3  }
0x29: {  	s14 =	simm.s32 $0x1  }
0x2a: {  	_ =	swait.ge [sflag:s7], $0x100;
	s14 =	simm.s32 @!p0 $0x0  }
0x2b: {  	[sflag:s7] =	ssyncset.done $0x0;
	s14 =	sshll.u32 s14, $0x8  }
0x2c: {  	[sflag:s7] =	ssyncadd.s32 $0xFFFFFF00;
	(ifvalue) =	ssetifvalue $0x7FFFFFFF;
	v0 =	vld.msk [tilespmem:s14+$0x0 ss:$0x1], $0xffff;
	_ =	sdelay $0x4  }
0x2d: {  	s15 =	sadd.s32 $0x10, s14;
	vm1 =	vgt.s32 v0, $0x0  }
0x2e: {  	v2 =	vld.msk [tilespmem:s15+$0x0 ss:$0x1], $0xffff;
	v1 =	vnsel vm1, $0x0, v0  }
0x2f: {  	v1 =	vmin.u32 v1, $0x3FFF;
	_ =	sdelay $0x1  }
0x30: {  	s16 =	sshll.u32 s12, $0x8;
	s18 =	simm.s32 $0x20  }
0x31: {  	s16 =	sand.u32 $0x100, s16;
	s17 =	sadd.s32 $0x10, s15;
	s15 =	sor.u32 $0x200, s14  }
0x32: {  	s14 =	sor.u32 $0x200, s16;
	s16 =	sadd.s32 $0x10, s15;
	v0 =	vld.msk [tilespmem:s17+$0x0 ss:$0x1], $0xffff;
	vm1 =	vgt.s32 v2, $0x0;
	(ifvalue) =	ssetifvalue $0x7FFFFFFF  }
.LBB2_3:
0x33: {  	[tilespmem:s15], [sflag:$0x1] =	stream.indirect_vreg.gather [hbm4b:s2+s10], $0x1, v1, vm0, $0x4038;
	[tilespmem:$0x400] =	vst v63  }
0x34: {  	s18 =	sadd.s32 $0x10, s18  }
0x35: {  	v2 =	vnsel vm1, $0x0, v2;
	p1 =	slt.u32 s18, $0xF0  }
.Ltmp3:
0x36: {  	s15 =	smov.u32 s16;
	v1 =	vmin.u32 v2, $0x3FFF;
	(pc) =	sbr.rel @p1 .LBB2_3-.Ltmp3, $3  }
0x37: {  	_ =	sdelay $0x1  }
0x38: {  	s17 =	sadd.s32 $0x10, s17  }
0x39: {  	vm1 =	vgt.s32 v0, $0x0;
	s16 =	sadd.s32 $0x10, s16;
	v2 =	vmov v0;
	(ifvalue) =	ssetifvalue $0x7FFFFFFF;
	v0 =	vld.msk [tilespmem:s17+$0x0 ss:$0x1], $0xffff  }
.Ltmp4:
0x3a: {  	_ = 	snop;
	(pc) =	sbr.rel .LBB2_4-.Ltmp4, $1  }
0x3b: {  	_ =	sdelay $0x3  }
.LBB2_6:
0x3c: {  	_ =	sfence.sel $0x180000  }
0x3d: {  	s2 =	simm.s32 $0x2;
	[bflag:$0x0] =	sbarrier.arrive $0xFFFF  }
0x3e: {  	s30 =	simm.s32 $0x3;
	[sflag:s2] =	ssyncpa.u1 $0x1  }
0x3f: {  	s31 =	simm.s32 $0x1;
	[sflag:s30] =	ssyncpa.u1 $0x1  }
0x40: {  	[sflag:s31] =	ssyncpa.u1 $0x1  }
0x41: {  	p0 =	sne.s32 s0, $0x0;
	_ =	strace $0x90000050  }
0x42: {  	s0 =	sadd.s32 @!p0 $0x100000, s1;
	[bflag:$0x2] =	sbarrier.arrive $0xFFFF  }
0x43: {  	[sflag:s0] =	ssyncadd.tile.s32 @!p0 $0x1;
	_ =	shalt  }
.Lfunc_end2:
_tile_overlayer_lowered:
.L_overlay_start_2:
0x44: {  	(tag) =	ssettag $0x2  }
0x45: {  	s0 =	rddreg [dreg:$0x0];
	s2 =	stileid.u32  }
0x46: {  	s1 =	rddreg [dreg:$0x1];
	p0 =	sne.s32 s2, $0x0  }
0x47: {  	s3 =	rddreg [dreg:$0x2];
	[bflag:$0x3] =	sbarrier.arrive $0xFFFF;
	s2 =	simm.s32 @!p0 $0x1C01  }
0x48: {  	[timem:s3], [sflag:s2] =	dma.local @!p0 [hbm:s0], s1  }
0x49: {  	s0 =	simm.s32 @!p0 $0x1  }
0x4a: {  	_ =	swait.ge @!p0 [sflag:s0], s1  }
0x4b: {  	s1 =	ssub.s32 @!p0 $0x0, s1;
	[sflag:s0] =	ssyncset.done @!p0 $0x0  }
0x4c: {  	[sflag:s0] =	ssyncadd.s32 @!p0 s1  }
0x4d: {  	[bflag:$0x3] =	sbarrier.arrive $0xFFFF  }
0x4e: {  	_ =	shalt  }

// kernel: gather_offload_async_start
scs
__scs_entry_jumppad:
0x0: {  	(pc) =	sbr.rel $0x88, $3  }
0x1: {  	(tag) =	ssettag $0x0;
	lr =	simm.s32 $0x1  }
0x2: {  	[smem:$0x3F99] =	sst lr;
	_ =	strace $0xD0000000  }
0x3: {  	_ = 	snop  }
0x4: {  	_ = 	snop  }
0x5: {  	_ = 	snop  }
0x6: {  	_ = 	snop  }
0x7: {  	_ = 	snop  }
__scs_overlays_trampoline_lowered:
0x8: {  	[smem:$0x3FA8] =	sst s0  }
0x9: {  	[smem:$0x3FA9] =	sst s1  }
0xa: {  	[smem:$0x3FAA] =	sst s2  }
0xb: {  	[smem:$0x3FAB] =	sst s3  }
0xc: {  	[smem:$0x3FAC] =	sst s4  }
0xd: {  	[smem:$0x3FAD] =	sst s5  }
0xe: {  	[smem:$0x3FAE] =	sst s6  }
0xf: {  	[smem:$0x3FAF] =	sst s7  }
0x10: {  	[smem:$0x3FB0] =	sst s8  }
0x11: {  	[smem:$0x3FB1] =	sst s9;
	s0 =	simm.s32 @!p0 $0x0  }
0x12: {  	s1 =	sld [smem:$0x3F97];
	s0 =	simm.s32 @p0 $0x1  }
0x13: {  	[smem:$0x3FB2] =	sst s0;
	s0 =	simm.s32 @!p1 $0x0  }
0x14: {  	s2 =	sld [smem:$0x3F96];
	s0 =	simm.s32 @p1 $0x1  }
0x15: {  	[smem:$0x3FB3] =	sst s0;
	s0 =	simm.s32 @!p2 $0x0  }
0x16: {  	s3 =	sld [smem:$0x3FDB];
	s0 =	simm.s32 @p2 $0x1  }
0x17: {  	s4 =	simm.s32 $0x1BF5;
	[smem:$0x3FB5] =	sst s0  }
0x18: {  	s0 =	sld [smem:$0x3F98];
	_ =	swait.ge [sflag:s4], $0x0  }
0x19: {  	s7 =	sld [smem:$0x3F99]  }
0x1a: {  	s8 =	sadd.s32 $0xFFFFE003, lr  }
0x1b: {  	s9 =	sadd.s32 $0xFFFFFEF7, lr;
	s5 =	simm.s32 $0xFFFFFFFF;
	p2 =	slt.u32 s8, $0xFFFFF086  }
0x1c: {  	p1 =	slt.u32 s9, $0xF7A;
	s5 =	simm.s32 @!p2 $0x0  }
0x1d: {  	s5 =	simm.s32 @p1 $0x1;
	p0 =	seq.s32 s7, s2  }
0x1e: {  	s7 =	smul.u32 @!p0 $0xF7A, s2;
	p2 =	seq.s32 @!p0 s5, $0x0  }
0x1f: {  	s9 =	smul.u32 $0xF7A, s1;
	s8 =	simm.s32 @!p0 $0x1BF5;
	p2 =	por !p2, p0  }
0x20: {  	[sflag:s8] =	ssyncset.s32 @!p0 $0xFFFFF086;
	s6 =	sadd.s32 @!p0 s3, s7;
	s7 =	simm.s32 @!p0 $0x108  }
0x21: {  	s3 =	sadd.s32 s3, s9;
	s6 =	sadd.s32 @!p0 $0x88, s6;
	s7 =	simm.s32 @p2 $0x1082  }
0x22: {  	[simem:s7], [sflag:s8] =	dma.local @!p0 [hbm:s6], $0xF7A  }
0x23: {  	s9 =	sor.u32 $0xD0000000, s2;
	s6 =	simm.s32 $0x108;
	_ =	swait.ge @!p0 [sflag:s8], $0x0  }
0x24: {  	s3 =	sadd.s32 $0x88, s3;
	s6 =	simm.s32 @!p1 $0x1082;
	[sflag:s4] =	ssyncset.s32 $0xFFFFF086  }
0x25: {  	[simem:s6], [sflag:s4] =	dma.local [hbm:s3], $0xF7A  }
0x26: {  	[smem:$0x3F99] =	sst s1;
	(tag) =	ssettag s2;
	_ =	strace s9  }
0x27: {  	s1 =	sld [smem:$0x3FA9]  }
0x28: {  	s2 =	sld [smem:$0x3FAA]  }
0x29: {  	s4 =	sld [smem:$0x3FAC]  }
0x2a: {  	p0 =	seq.s32 s5, $0x0;
	s5 =	sld [smem:$0x3FAD]  }
0x2b: {  	s6 =	sld [smem:$0x3FAE]  }
0x2c: {  	s7 =	sld [smem:$0x3FAF]  }
0x2d: {  	s3 =	simm.s32 $0x108;
	s8 =	sld [smem:$0x3FB0]  }
0x2e: {  	s3 =	simm.s32 @!p0 $0x1082;
	s9 =	sld [smem:$0x3FB1]  }
0x2f: {  	lr =	sadd.s32 s0, s3;
	s0 =	sld [smem:$0x3FA8]  }
0x30: {  	s3 =	sld [smem:$0x3FAB]  }
0x31: {  	[smem:$0x3FB4] =	sst s10  }
0x32: {  	s10 =	sld [smem:$0x3FB2];
	_ =	sdelay $0x3  }
0x33: {  	p0 =	seq.s32 s10, $0x1;
	s10 =	sld [smem:$0x3FB4];
	_ =	sdelay $0x3  }
0x34: {  	[smem:$0x3FB4] =	sst s10  }
0x35: {  	s10 =	sld [smem:$0x3FB3];
	_ =	sdelay $0x3  }
0x36: {  	p1 =	seq.s32 s10, $0x1;
	s10 =	sld [smem:$0x3FB4];
	_ =	sdelay $0x3  }
0x37: {  	[smem:$0x3FB4] =	sst s10  }
0x38: {  	s10 =	sld [smem:$0x3FB5]  }
0x39: {  	_ = 	snop;
	(pc) =	sbr.ind lr, $3  }
0x3a: {  	_ = 	snop  }
0x3b: {  	_ = 	snop  }
0x3c: {  	p2 =	seq.s32 s10, $0x1;
	s10 =	sld [smem:$0x3FB4]  }
0x3d: {  	_ =	shalt  }
0x3e: {  	_ =	shalt  }
0x3f: {  	_ =	shalt  }
0x40: {  	_ =	shalt  }
0x41: {  	_ =	shalt  }
0x42: {  	_ =	shalt  }
0x43: {  	_ =	shalt  }
0x44: {  	_ =	shalt  }
0x45: {  	_ =	shalt  }
0x46: {  	_ =	shalt  }
0x47: {  	_ =	shalt  }
0x48: {  	_ =	shalt  }
0x49: {  	_ =	shalt  }
0x4a: {  	_ =	shalt  }
0x4b: {  	_ =	shalt  }
0x4c: {  	_ =	shalt  }
0x4d: {  	_ =	shalt  }
0x4e: {  	_ =	shalt  }
0x4f: {  	_ =	shalt  }
0x50: {  	_ =	shalt  }
0x51: {  	_ =	shalt  }
0x52: {  	_ =	shalt  }
0x53: {  	_ =	shalt  }
0x54: {  	_ =	shalt  }
0x55: {  	_ =	shalt  }
0x56: {  	_ =	shalt  }
0x57: {  	_ =	shalt  }
0x58: {  	_ =	shalt  }
0x59: {  	_ =	shalt  }
0x5a: {  	_ =	shalt  }
0x5b: {  	_ =	shalt  }
0x5c: {  	_ =	shalt  }
0x5d: {  	_ =	shalt  }
0x5e: {  	_ =	shalt  }
0x5f: {  	_ =	shalt  }
0x60: {  	_ =	shalt  }
0x61: {  	_ =	shalt  }
0x62: {  	_ =	shalt  }
0x63: {  	_ =	shalt  }
0x64: {  	_ =	shalt  }
0x65: {  	_ =	shalt  }
0x66: {  	_ =	shalt  }
0x67: {  	_ =	shalt  }
0x68: {  	_ =	shalt  }
0x69: {  	_ =	shalt  }
0x6a: {  	_ =	shalt  }
0x6b: {  	_ =	shalt  }
0x6c: {  	_ =	shalt  }
0x6d: {  	_ =	shalt  }
0x6e: {  	_ =	shalt  }
0x6f: {  	_ =	shalt  }
0x70: {  	_ =	shalt  }
0x71: {  	_ =	shalt  }
0x72: {  	_ =	shalt  }
0x73: {  	_ =	shalt  }
0x74: {  	_ =	shalt  }
0x75: {  	_ =	shalt  }
0x76: {  	_ =	shalt  }
0x77: {  	_ =	shalt  }
0x78: {  	_ =	shalt  }
0x79: {  	_ =	shalt  }
0x7a: {  	_ =	shalt  }
0x7b: {  	_ =	shalt  }
0x7c: {  	_ =	shalt  }
0x7d: {  	_ =	shalt  }
0x7e: {  	_ =	shalt  }
0x7f: {  	_ =	shalt  }
0x80: {  	_ =	shalt  }
0x81: {  	_ =	shalt  }
0x82: {  	_ =	shalt  }
0x83: {  	_ =	shalt  }
0x84: {  	_ =	shalt  }
0x85: {  	_ =	shalt  }
0x86: {  	_ =	shalt  }
0x87: {  	_ =	shalt  }
.Lfunc_end0:
.L_simem_size_0:
called_computation_lowered:
.L_overlay_start_0:
0x88: {  	s2 =	sld [smem:$0x3FD9]  }
0x89: {  	s3 =	sld [smem:$0x3FFE];
	_ =	sdelay $0x1  }
0x8a: {  	s1 =	srdreg.scid  }
0x8b: {  	s0 =	sand.u32 $0x1, s1  }
0x8c: {  	s17 =	sshll.u32 s0, $0xA;
	s2 =	sadd.s32 s3, s2  }
0x8d: {  	s2 =	sadd.s32 s2, s17  }
0x8e: {  	[smem:$0x3FC0] =	sst s2  }
0x8f: {  	_ = 	snop  }
0x90: {  	s18 =	sld [smem:$0x3FC9];
	(tm) =	ssettm $0x1  }
0x91: {  	s19 =	sld [smem:$0x3FFB];
	_ =	sdelay $0x3  }
0x92: {  	_ =	strace s19  }
0x93: {  	s2 =	sld [smem:$0x3FFC];
	_ =	sdelay $0x3  }
0x94: {  	_ =	strace s2  }
0x95: {  	s2 =	sld [smem:$0x3FFD];
	_ =	sdelay $0x3  }
0x96: {  	_ =	strace s2  }
0x97: {  	_ =	strace $0x8FFFFFFF  }
0x98: {  	s20 =	sld [smem:$0x3FDB];
	_ =	sdelay $0x1  }
0x99: {  	s4 =	simm.s32 $_scs_section_size  }
0x9a: {  	s5 =	simm.s32 $_size__tile_overlayer_lowered;
	s6 =	simm.s32 $_tile_overlayer_lowered  }
0x9b: {  	s7 =	simm.s32 $0x1BFF;
	s21 =	sshll.u32 s6, $0x1;
	s4 =	sadd.s32 s4, s20  }
0x9c: {  	s22 =	simm.s32 $0x0;
	s5 =	sshll.u32 s5, $0x1;
	s6 =	sadd.s32 s21, s4  }
0x9d: {  	[timem:s22], [sflag:s7] =	dma.local [hbm:s6], s5  }
0x9e: {  	_ =	swait.ge [sflag:s7], s5  }
0x9f: {  	s5 =	ssub.s32 $0x0, s5;
	[sflag:s7] =	ssyncset.done $0x0  }
0xa0: {  	[sflag:s7] =	ssyncadd.s32 s5;
	_ =	sdelay $0x1  }
0xa1: {  	s23 =	simm.s32 $0x1B8B  }
0xa2: {  	_ =	swait.ge [sflag:s23], $0x1  }
0xa3: {  	[sflag:s23] =	ssyncset.done $0x0  }
0xa4: {  	[sflag:s23] =	ssyncadd.s32 $0xFFFFFFFF  }
0xa5: {  	s5 =	sld [smem:$0x0]  }
0xa6: {  	s6 =	sand.u32 $0xFFFFFFFE, s1  }
0xa7: {  	p0 =	sne.s32 s1, s6  }
0xa8: {  	s6 =	sshll.u32 @p0 s6, $0xE  }
0xa9: {  	s6 =	sadd.s32 @p0 $0x11B8D, s6;
	s7 =	sshll.u32 @p0 s5, $0x11  }
0xaa: {  	s6 =	sor.u32 @p0 s7, s6  }
0xab: {  	[sflag:s6] =	ssyncadd.remote.s32 @p0 $0x1;
	_ =	sdelay $0x1  }
0xac: {  	s6 =	simm.s32 @p0 $0x1B8D  }
0xad: {  	_ =	swait.eq @p0 [sflag:s6], $0x1  }
0xae: {  	[sflag:s6] =	ssyncadd.s32 @p0 $0xFFFFFFFF  }
0xaf: {  	s7 =	sshll.u32 @!p0 s1, $0xE  }
0xb0: {  	s7 =	sor.u32 @!p0 $0x4000, s7;
	s6 =	simm.s32 @!p0 $0x1B8D  }
0xb1: {  	s5 =	sshll.u32 @!p0 s5, $0x11;
	s7 =	sadd.s32 @!p0 $0x11B8D, s7;
	_ =	swait.eq @!p0 [sflag:s6], $0x1  }
0xb2: {  	s5 =	sor.u32 @!p0 s5, s7;
	[sflag:s6] =	ssyncadd.s32 @!p0 $0xFFFFFFFF  }
0xb3: {  	s25 =	simm.s32 $0x1B8E;
	s24 =	sld [smem:$0x3FFE];
	[sflag:s5] =	ssyncadd.remote.s32 @!p0 $0x1  }
0xb4: {  	s26 =	simm.s32 $execute0_lowered;
	[smem:$0x3FD2] =	sst s25  }
0xb5: {  	s6 =	sshll.u32 s26, $0x1;
	_ =	strace $0x8000004C;
	[dreg:$0x1] =	wrdreg $0xFFFFFFFF  }
0xb6: {  	s28 =	simm.s32 $_size_execute0_lowered;
	s4 =	sadd.s32 s4, s6;
	[dreg:$0x0] =	wrdreg $0x0  }
0xb7: {  	s6 =	sshll.u32 s28, $0x1;
	[dreg:$0x2] =	wrdreg s4  }
0xb8: {  	[dreg:$0x3] =	wrdreg s6  }
0xb9: {  	[dreg:$0x4] =	wrdreg $0xC0  }
0xba: {  	_ =	task [dreg:s22], $0x5FFFF  }
0xbb: {  	[dreg:$0x1] =	wrdreg $0xFFFFFFFF  }
0xbc: {  	[dreg:$0x0] =	wrdreg $0x60  }
0xbd: {  	[dreg:$0x2] =	wrdreg s18  }
0xbe: {  	[dreg:$0x3] =	wrdreg s24  }
0xbf: {  	[dreg:$0x4] =	wrdreg $0x9  }
0xc0: {  	_ =	task.clear_ibuf [dreg:s22], $0x5FFFF;
	_ =	strace $0x9000004C  }
0xc1: {  	s29 =	simm.s32 $0x9;
	_ =	strace $0x8000004E  }
0xc2: {  	_ =	swait.ge [sflag:s29], $0x1  }
0xc3: {  	[sflag:s29] =	ssyncadd.s32 $0xFFFFFFFF  }
0xc4: {  	_ =	strace $0x9000004E  }
0xc5: {  	_ =	sfence  }
0xc6: {  	s30 =	sld [smem:$0x0];
	_ =	sdelay $0x2  }
0xc7: {  	s31 =	sshll.u32 s1, $0xD;
	s1 =	sshrl.u32 s1, $0x2  }
0xc8: {  	s4 =	sand.u32 $0x4000, s31;
	s1 =	sadd.s32 s1, s30  }
0xc9: {  	s0 =	sor.u32 s4, s0;
	s1 =	sshll.u32 s1, $0x11  }
0xca: {  	s0 =	sor.u32 s1, s0  }
0xcb: {  	s0 =	sadd.s32 $0x8F2B, s0  }
0xcc: {  	[sflag:s0] =	ssyncadd.remote.s32 $0x1  }
0xcd: {  	_ =	sfence.sel $0xFFFF  }
0xce: {  	[dreg:$0x0] =	wrdreg $0xFFFFFFFF;
	(pc) =	sbr.abs _section_cstart, $3  }
0xcf: {  	[dreg:$0x1] =	wrdreg $0xFFFFFFFF  }
0xd0: {  	_ =	task.clear_ibuf [dreg:s22], $0x2FFFF;
	_ =	strace $0x9FFFFFFF  }
0xd1: {  	(tm) =	ssettm $0x7FFFFFFF  }
tec
execute0_lowered:
.L_overlay_start_1:
0x0: {  	(tag) =	ssettag $0x1  }
0x1: {  	s1 =	srdreg.scid;
	s2 =	rddreg [dreg:$0x0]  }
0x2: {  	s0 =	stileid.u32;
	s5 =	rddreg [dreg:$0x1];
	s6 =	simm.s32 $0x1  }
0x3: {  	s9 =	simm.s32 $0x1;
	s10 =	simm.s32 $0x3;
	s1 =	sshll.u32 s1, $0x8  }
0x4: {  	s13 =	simm.s32 $0x0;
	s3 =	sshll.u32 s0, $0x9;
	s4 =	sand.u32 $0x100, s1  }
0x5: {  	s12 =	simm.s32 $0x0;
	s1 =	rddreg [dreg:$0x2];
	s3 =	sor.u32 s3, s4  }
0x6: {  	_ =	strace $0x8000004D;
	s4 =	sadd.s32 $0x400, s5;
	s8 =	ssub.s32 $0x4000, s3  }
.Ltmp0:
0x7: {  	s5 =	sadd.s32 $0x1C00, s5;
	s7 =	sand.u32 $0x1F00, s8;
	(pc) =	sbr.rel .LBB2_1-.Ltmp0, $4  }
0x8: {  	[sflag:s6] =	ssyncpa.u1 $0x0;
	s11 =	smov.u32 s3;
	p0 =	sne.s32 s7, $0x0  }
0x9: {  	s8 =	sshrl.u32 s8, $0xD;
	s7 =	simm.s32 $0x2;
	s9 =	simm.s32 @!p0 $0x0  }
0xa: {  	[sflag:s7] =	ssyncpa.u1 $0x0;
	p0 =	por $0x0, $0x0;
	s8 =	sadd.s32 s9, s8  }
0xb: {  	vm0 =	vmmov $0xffff;
	[sflag:s10] =	ssyncpa.u1 $0x0;
	s10 =	simm.s32 $0x0;
	s9 =	sadd.s32 $0x1, s8  }
.LBB2_4:
0xc: {  	v2 =	vnsel vm1, $0x0, v2  }
0xd: {  	vm1 =	vgt.s32 v0, $0x0;
	v2 =	vmin.u32 v2, $0x3FFF  }
0xe: {  	v0 =	vnsel vm1, $0x0, v0  }
0xf: {  	v0 =	vmin.u32 v0, $0x3FFF  }
0x10: {  	[tilespmem:s15], [sflag:$0x1] =	stream.indirect_vreg.gather [hbm4b:s2+s10], $0x1, v1, vm0, $0x4038;
	[tilespmem:$0x400] =	vst v63  }
0x11: {  	(ifvalue) =	ssetifvalue $0x7FFFFFFF  }
0x12: {  	[tilespmem:s16], [sflag:$0x1] =	stream.indirect_vreg.gather [hbm4b:s2+s10], $0x1, v2, vm0, $0x4038;
	[tilespmem:$0x400] =	vst v63  }
0x13: {  	s29 =	sadd.s32 $0x10, s16;
	(ifvalue) =	ssetifvalue $0x7FFFFFFF  }
0x14: {  	[tilespmem:s29], [sflag:$0x1] =	stream.indirect_vreg.gather [hbm4b:s2+s10], $0x1, v0, vm0, $0x4038;
	[tilespmem:$0x400] =	vst v63  }
0x15: {  	_ =	swait.ge [sflag:s6], $0x100  }
0x16: {  	s30 =	sshrl.u32 s13, $0x3;
	[sflag:s6] =	ssyncset.done $0x0  }
0x17: {  	s31 =	sand.u32 $0x7, s13;
	s15 =	sadd.s32 s5, s30;
	[sflag:s6] =	ssyncadd.s32 $0xFFFFFF00  }
0x18: {  	[hbm4b:s15+s31] =	stream.linear.scatter [tilespmem:s14], [sflag:$0x3], $0x100, $0x38;
	[tilespmem:$0x400] =	vst v63  }
.LBB2_5:
0x19: {  	s15 =	sadd.s32 $0x2000, s11  }
0x1a: {  	p2 =	sgt.s32 s15, $0x3FFF  }
0x1b: {  	s15 =	smov.u32 @p2 s3;
	p2 =	sne.s32 s12, s9  }
.Ltmp1:
0x1c: {  	p1 =	slt.u32 s12, $0x2;
	(pc) =	sbr.rel @!p2 .LBB2_6-.Ltmp1, $4  }
0x1d: {  	s14 =	simm.s32 @!p1 $0x3  }
0x1e: {  	s16 =	sadd.s32 $0x1, s12;
	_ =	swait.ge @!p1 [sflag:s14], $0x100  }
0x1f: {  	s13 =	smov.u32 s11;
	p0 =	por !p0, !p0;
	[sflag:s14] =	ssyncset.done @!p1 $0x0  }
0x20: {  	s12 =	smov.u32 s16;
	s11 =	smov.u32 s15;
	[sflag:s14] =	ssyncadd.s32 @!p1 $0xFFFFFF00  }
.LBB2_1:
0x21: {  	p1 =	sge.u32 s12, s8  }
0x22: {  	s14 =	sxor.u32 @!p1 $0xFFFFFFFF, s12  }
0x23: {  	s31 =	sadd.s32 $0xFFFFFFFF, s12;
	s15 =	sshrl.u32 @!p1 s11, $0x3;
	s14 =	sshll.u32 @!p1 s14, $0x8  }
0x24: {  	s16 =	sand.u32 @!p1 $0x7, s11;
	s15 =	sadd.s32 @!p1 s4, s15;
	s14 =	sand.u32 @!p1 $0x100, s14  }
0x25: {  	[tilespmem:s14], [sflag:$0x2] =	stream.linear.gather @!p1 [hbm4b:s15+s16], $0x100, $0x38;
	[tilespmem:$0x400] =	vst v63  }
0x26: {  	p1 =	sge.u32 s31, s8  }
.Ltmp2:
0x27: {  	_ = 	snop;
	(pc) =	sbr.rel @p1 .LBB2_5-.Ltmp2, $1  }
0x28: {  	_ =	sdelay $0x3  }
0x29: {  	s14 =	simm.s32 $0x1  }
0x2a: {  	_ =	swait.ge [sflag:s7], $0x100;
	s14 =	simm.s32 @!p0 $0x0  }
0x2b: {  	[sflag:s7] =	ssyncset.done $0x0;
	s14 =	sshll.u32 s14, $0x8  }
0x2c: {  	[sflag:s7] =	ssyncadd.s32 $0xFFFFFF00;
	(ifvalue) =	ssetifvalue $0x7FFFFFFF;
	v0 =	vld.msk [tilespmem:s14+$0x0 ss:$0x1], $0xffff;
	_ =	sdelay $0x4  }
0x2d: {  	s15 =	sadd.s32 $0x10, s14;
	vm1 =	vgt.s32 v0, $0x0  }
0x2e: {  	v2 =	vld.msk [tilespmem:s15+$0x0 ss:$0x1], $0xffff;
	v1 =	vnsel vm1, $0x0, v0  }
0x2f: {  	v1 =	vmin.u32 v1, $0x3FFF;
	_ =	sdelay $0x1  }
0x30: {  	s16 =	sshll.u32 s12, $0x8;
	s18 =	simm.s32 $0x20  }
0x31: {  	s16 =	sand.u32 $0x100, s16;
	s17 =	sadd.s32 $0x10, s15;
	s15 =	sor.u32 $0x200, s14  }
0x32: {  	s14 =	sor.u32 $0x200, s16;
	s16 =	sadd.s32 $0x10, s15;
	v0 =	vld.msk [tilespmem:s17+$0x0 ss:$0x1], $0xffff;
	vm1 =	vgt.s32 v2, $0x0;
	(ifvalue) =	ssetifvalue $0x7FFFFFFF  }
.LBB2_3:
0x33: {  	[tilespmem:s15], [sflag:$0x1] =	stream.indirect_vreg.gather [hbm4b:s2+s10], $0x1, v1, vm0, $0x4038;
	[tilespmem:$0x400] =	vst v63  }
0x34: {  	s18 =	sadd.s32 $0x10, s18  }
0x35: {  	v2 =	vnsel vm1, $0x0, v2;
	p1 =	slt.u32 s18, $0xF0  }
.Ltmp3:
0x36: {  	s15 =	smov.u32 s16;
	v1 =	vmin.u32 v2, $0x3FFF;
	(pc) =	sbr.rel @p1 .LBB2_3-.Ltmp3, $3  }
0x37: {  	_ =	sdelay $0x1  }
0x38: {  	s17 =	sadd.s32 $0x10, s17  }
0x39: {  	vm1 =	vgt.s32 v0, $0x0;
	s16 =	sadd.s32 $0x10, s16;
	v2 =	vmov v0;
	(ifvalue) =	ssetifvalue $0x7FFFFFFF;
	v0 =	vld.msk [tilespmem:s17+$0x0 ss:$0x1], $0xffff  }
.Ltmp4:
0x3a: {  	_ = 	snop;
	(pc) =	sbr.rel .LBB2_4-.Ltmp4, $1  }
0x3b: {  	_ =	sdelay $0x3  }
.LBB2_6:
0x3c: {  	_ =	sfence.sel $0x180000  }
0x3d: {  	s2 =	simm.s32 $0x2;
	[bflag:$0x0] =	sbarrier.arrive $0xFFFF  }
0x3e: {  	s30 =	simm.s32 $0x3;
	[sflag:s2] =	ssyncpa.u1 $0x1  }
0x3f: {  	s31 =	simm.s32 $0x1;
	[sflag:s30] =	ssyncpa.u1 $0x1  }
0x40: {  	[sflag:s31] =	ssyncpa.u1 $0x1  }
0x41: {  	p0 =	sne.s32 s0, $0x0;
	_ =	strace $0x9000004D  }
0x42: {  	s0 =	sadd.s32 @!p0 $0x100000, s1;
	[bflag:$0x2] =	sbarrier.arrive $0xFFFF  }
0x43: {  	[sflag:s0] =	ssyncadd.tile.s32 @!p0 $0x1;
	_ =	shalt  }
.Lfunc_end2:
_tile_overlayer_lowered:
.L_overlay_start_2:
0x44: {  	(tag) =	ssettag $0x2  }
0x45: {  	s0 =	rddreg [dreg:$0x0];
	s2 =	stileid.u32  }
0x46: {  	s1 =	rddreg [dreg:$0x1];
	p0 =	sne.s32 s2, $0x0  }
0x47: {  	s3 =	rddreg [dreg:$0x2];
	[bflag:$0x3] =	sbarrier.arrive $0xFFFF;
	s2 =	simm.s32 @!p0 $0x1C01  }
0x48: {  	[timem:s3], [sflag:s2] =	dma.local @!p0 [hbm:s0], s1  }
0x49: {  	s0 =	simm.s32 @!p0 $0x1  }
0x4a: {  	_ =	swait.ge @!p0 [sflag:s0], s1  }
0x4b: {  	s1 =	ssub.s32 @!p0 $0x0, s1;
	[sflag:s0] =	ssyncset.done @!p0 $0x0  }
0x4c: {  	[sflag:s0] =	ssyncadd.s32 @!p0 s1  }
0x4d: {  	[bflag:$0x3] =	sbarrier.arrive $0xFFFF  }
0x4e: {  	_ =	shalt  }

// kernel: kernel.4.cloned.1.call-start
scs
__scs_entry_jumppad:
0x0: {  	(pc) =	sbr.rel $0x88, $3  }
0x1: {  	(tag) =	ssettag $0x0;
	lr =	simm.s32 $0x1  }
0x2: {  	[smem:$0x3F99] =	sst lr;
	_ =	strace $0xD0000000  }
0x3: {  	_ = 	snop  }
0x4: {  	_ = 	snop  }
0x5: {  	_ = 	snop  }
0x6: {  	_ = 	snop  }
0x7: {  	_ = 	snop  }
__scs_overlays_trampoline_lowered:
0x8: {  	[smem:$0x3FA8] =	sst s0  }
0x9: {  	[smem:$0x3FA9] =	sst s1  }
0xa: {  	[smem:$0x3FAA] =	sst s2  }
0xb: {  	[smem:$0x3FAB] =	sst s3  }
0xc: {  	[smem:$0x3FAC] =	sst s4  }
0xd: {  	[smem:$0x3FAD] =	sst s5  }
0xe: {  	[smem:$0x3FAE] =	sst s6  }
0xf: {  	[smem:$0x3FAF] =	sst s7  }
0x10: {  	[smem:$0x3FB0] =	sst s8  }
0x11: {  	[smem:$0x3FB1] =	sst s9;
	s0 =	simm.s32 @!p0 $0x0  }
0x12: {  	s1 =	sld [smem:$0x3F97];
	s0 =	simm.s32 @p0 $0x1  }
0x13: {  	[smem:$0x3FB2] =	sst s0;
	s0 =	simm.s32 @!p1 $0x0  }
0x14: {  	s2 =	sld [smem:$0x3F96];
	s0 =	simm.s32 @p1 $0x1  }
0x15: {  	[smem:$0x3FB3] =	sst s0;
	s0 =	simm.s32 @!p2 $0x0  }
0x16: {  	s3 =	sld [smem:$0x3FDB];
	s0 =	simm.s32 @p2 $0x1  }
0x17: {  	s4 =	simm.s32 $0x1BF5;
	[smem:$0x3FB5] =	sst s0  }
0x18: {  	s0 =	sld [smem:$0x3F98];
	_ =	swait.ge [sflag:s4], $0x0  }
0x19: {  	s7 =	sld [smem:$0x3F99]  }
0x1a: {  	s8 =	sadd.s32 $0xFFFFE003, lr  }
0x1b: {  	s9 =	sadd.s32 $0xFFFFFEF7, lr;
	s5 =	simm.s32 $0xFFFFFFFF;
	p2 =	slt.u32 s8, $0xFFFFF086  }
0x1c: {  	p1 =	slt.u32 s9, $0xF7A;
	s5 =	simm.s32 @!p2 $0x0  }
0x1d: {  	s5 =	simm.s32 @p1 $0x1;
	p0 =	seq.s32 s7, s2  }
0x1e: {  	s7 =	smul.u32 @!p0 $0xF7A, s2;
	p2 =	seq.s32 @!p0 s5, $0x0  }
0x1f: {  	s9 =	smul.u32 $0xF7A, s1;
	s8 =	simm.s32 @!p0 $0x1BF5;
	p2 =	por !p2, p0  }
0x20: {  	[sflag:s8] =	ssyncset.s32 @!p0 $0xFFFFF086;
	s6 =	sadd.s32 @!p0 s3, s7;
	s7 =	simm.s32 @!p0 $0x108  }
0x21: {  	s3 =	sadd.s32 s3, s9;
	s6 =	sadd.s32 @!p0 $0x88, s6;
	s7 =	simm.s32 @p2 $0x1082  }
0x22: {  	[simem:s7], [sflag:s8] =	dma.local @!p0 [hbm:s6], $0xF7A  }
0x23: {  	s9 =	sor.u32 $0xD0000000, s2;
	s6 =	simm.s32 $0x108;
	_ =	swait.ge @!p0 [sflag:s8], $0x0  }
0x24: {  	s3 =	sadd.s32 $0x88, s3;
	s6 =	simm.s32 @!p1 $0x1082;
	[sflag:s4] =	ssyncset.s32 $0xFFFFF086  }
0x25: {  	[simem:s6], [sflag:s4] =	dma.local [hbm:s3], $0xF7A  }
0x26: {  	[smem:$0x3F99] =	sst s1;
	(tag) =	ssettag s2;
	_ =	strace s9  }
0x27: {  	s1 =	sld [smem:$0x3FA9]  }
0x28: {  	s2 =	sld [smem:$0x3FAA]  }
0x29: {  	s4 =	sld [smem:$0x3FAC]  }
0x2a: {  	p0 =	seq.s32 s5, $0x0;
	s5 =	sld [smem:$0x3FAD]  }
0x2b: {  	s6 =	sld [smem:$0x3FAE]  }
0x2c: {  	s7 =	sld [smem:$0x3FAF]  }
0x2d: {  	s3 =	simm.s32 $0x108;
	s8 =	sld [smem:$0x3FB0]  }
0x2e: {  	s3 =	simm.s32 @!p0 $0x1082;
	s9 =	sld [smem:$0x3FB1]  }
0x2f: {  	lr =	sadd.s32 s0, s3;
	s0 =	sld [smem:$0x3FA8]  }
0x30: {  	s3 =	sld [smem:$0x3FAB]  }
0x31: {  	[smem:$0x3FB4] =	sst s10  }
0x32: {  	s10 =	sld [smem:$0x3FB2];
	_ =	sdelay $0x3  }
0x33: {  	p0 =	seq.s32 s10, $0x1;
	s10 =	sld [smem:$0x3FB4];
	_ =	sdelay $0x3  }
0x34: {  	[smem:$0x3FB4] =	sst s10  }
0x35: {  	s10 =	sld [smem:$0x3FB3];
	_ =	sdelay $0x3  }
0x36: {  	p1 =	seq.s32 s10, $0x1;
	s10 =	sld [smem:$0x3FB4];
	_ =	sdelay $0x3  }
0x37: {  	[smem:$0x3FB4] =	sst s10  }
0x38: {  	s10 =	sld [smem:$0x3FB5]  }
0x39: {  	_ = 	snop;
	(pc) =	sbr.ind lr, $3  }
0x3a: {  	_ = 	snop  }
0x3b: {  	_ = 	snop  }
0x3c: {  	p2 =	seq.s32 s10, $0x1;
	s10 =	sld [smem:$0x3FB4]  }
0x3d: {  	_ =	shalt  }
0x3e: {  	_ =	shalt  }
0x3f: {  	_ =	shalt  }
0x40: {  	_ =	shalt  }
0x41: {  	_ =	shalt  }
0x42: {  	_ =	shalt  }
0x43: {  	_ =	shalt  }
0x44: {  	_ =	shalt  }
0x45: {  	_ =	shalt  }
0x46: {  	_ =	shalt  }
0x47: {  	_ =	shalt  }
0x48: {  	_ =	shalt  }
0x49: {  	_ =	shalt  }
0x4a: {  	_ =	shalt  }
0x4b: {  	_ =	shalt  }
0x4c: {  	_ =	shalt  }
0x4d: {  	_ =	shalt  }
0x4e: {  	_ =	shalt  }
0x4f: {  	_ =	shalt  }
0x50: {  	_ =	shalt  }
0x51: {  	_ =	shalt  }
0x52: {  	_ =	shalt  }
0x53: {  	_ =	shalt  }
0x54: {  	_ =	shalt  }
0x55: {  	_ =	shalt  }
0x56: {  	_ =	shalt  }
0x57: {  	_ =	shalt  }
0x58: {  	_ =	shalt  }
0x59: {  	_ =	shalt  }
0x5a: {  	_ =	shalt  }
0x5b: {  	_ =	shalt  }
0x5c: {  	_ =	shalt  }
0x5d: {  	_ =	shalt  }
0x5e: {  	_ =	shalt  }
0x5f: {  	_ =	shalt  }
0x60: {  	_ =	shalt  }
0x61: {  	_ =	shalt  }
0x62: {  	_ =	shalt  }
0x63: {  	_ =	shalt  }
0x64: {  	_ =	shalt  }
0x65: {  	_ =	shalt  }
0x66: {  	_ =	shalt  }
0x67: {  	_ =	shalt  }
0x68: {  	_ =	shalt  }
0x69: {  	_ =	shalt  }
0x6a: {  	_ =	shalt  }
0x6b: {  	_ =	shalt  }
0x6c: {  	_ =	shalt  }
0x6d: {  	_ =	shalt  }
0x6e: {  	_ =	shalt  }
0x6f: {  	_ =	shalt  }
0x70: {  	_ =	shalt  }
0x71: {  	_ =	shalt  }
0x72: {  	_ =	shalt  }
0x73: {  	_ =	shalt  }
0x74: {  	_ =	shalt  }
0x75: {  	_ =	shalt  }
0x76: {  	_ =	shalt  }
0x77: {  	_ =	shalt  }
0x78: {  	_ =	shalt  }
0x79: {  	_ =	shalt  }
0x7a: {  	_ =	shalt  }
0x7b: {  	_ =	shalt  }
0x7c: {  	_ =	shalt  }
0x7d: {  	_ =	shalt  }
0x7e: {  	_ =	shalt  }
0x7f: {  	_ =	shalt  }
0x80: {  	_ =	shalt  }
0x81: {  	_ =	shalt  }
0x82: {  	_ =	shalt  }
0x83: {  	_ =	shalt  }
0x84: {  	_ =	shalt  }
0x85: {  	_ =	shalt  }
0x86: {  	_ =	shalt  }
0x87: {  	_ =	shalt  }
.Lfunc_end0:
.L_simem_size_0:
called_computation.4_lowered:
.L_overlay_start_0:
0x88: {  	s2 =	sld [smem:$0x3FD9]  }
0x89: {  	s3 =	sld [smem:$0x3FFE];
	_ =	sdelay $0x1  }
0x8a: {  	s1 =	srdreg.scid  }
0x8b: {  	s0 =	sand.u32 $0x1, s1  }
0x8c: {  	s17 =	sshll.u32 s0, $0xA;
	s2 =	sadd.s32 s3, s2  }
0x8d: {  	s2 =	sadd.s32 s2, s17  }
0x8e: {  	[smem:$0x3FC0] =	sst s2  }
0x8f: {  	_ = 	snop  }
0x90: {  	s18 =	sld [smem:$0x3FC5];
	(tm) =	ssettm $0x1  }
0x91: {  	s19 =	sld [smem:$0x3FFB];
	_ =	sdelay $0x3  }
0x92: {  	_ =	strace s19  }
0x93: {  	s2 =	sld [smem:$0x3FFC];
	_ =	sdelay $0x3  }
0x94: {  	_ =	strace s2  }
0x95: {  	s2 =	sld [smem:$0x3FFD];
	_ =	sdelay $0x3  }
0x96: {  	_ =	strace s2  }
0x97: {  	_ =	strace $0x8FFFFFFF  }
0x98: {  	s20 =	sld [smem:$0x3FDB];
	_ =	sdelay $0x1  }
0x99: {  	s4 =	simm.s32 $_scs_section_size  }
0x9a: {  	s5 =	simm.s32 $_size__tile_overlayer_lowered;
	s6 =	simm.s32 $_tile_overlayer_lowered  }
0x9b: {  	s7 =	simm.s32 $0x1BFF;
	s21 =	sshll.u32 s6, $0x1;
	s4 =	sadd.s32 s4, s20  }
0x9c: {  	s22 =	simm.s32 $0x0;
	s5 =	sshll.u32 s5, $0x1;
	s6 =	sadd.s32 s21, s4  }
0x9d: {  	[timem:s22], [sflag:s7] =	dma.local [hbm:s6], s5  }
0x9e: {  	_ =	swait.ge [sflag:s7], s5  }
0x9f: {  	s5 =	ssub.s32 $0x0, s5;
	[sflag:s7] =	ssyncset.done $0x0  }
0xa0: {  	[sflag:s7] =	ssyncadd.s32 s5;
	_ =	sdelay $0x1  }
0xa1: {  	s23 =	simm.s32 $0x1B8B  }
0xa2: {  	_ =	swait.ge [sflag:s23], $0x1  }
0xa3: {  	[sflag:s23] =	ssyncset.done $0x0  }
0xa4: {  	[sflag:s23] =	ssyncadd.s32 $0xFFFFFFFF  }
0xa5: {  	s5 =	sld [smem:$0x0]  }
0xa6: {  	s6 =	sand.u32 $0xFFFFFFFE, s1  }
0xa7: {  	p0 =	sne.s32 s1, s6  }
0xa8: {  	s6 =	sshll.u32 @p0 s6, $0xE  }
0xa9: {  	s6 =	sadd.s32 @p0 $0x11B8D, s6;
	s7 =	sshll.u32 @p0 s5, $0x11  }
0xaa: {  	s6 =	sor.u32 @p0 s7, s6  }
0xab: {  	[sflag:s6] =	ssyncadd.remote.s32 @p0 $0x1;
	_ =	sdelay $0x1  }
0xac: {  	s6 =	simm.s32 @p0 $0x1B8D  }
0xad: {  	_ =	swait.eq @p0 [sflag:s6], $0x1  }
0xae: {  	[sflag:s6] =	ssyncadd.s32 @p0 $0xFFFFFFFF  }
0xaf: {  	s7 =	sshll.u32 @!p0 s1, $0xE  }
0xb0: {  	s7 =	sor.u32 @!p0 $0x4000, s7;
	s6 =	simm.s32 @!p0 $0x1B8D  }
0xb1: {  	s5 =	sshll.u32 @!p0 s5, $0x11;
	s7 =	sadd.s32 @!p0 $0x11B8D, s7;
	_ =	swait.eq @!p0 [sflag:s6], $0x1  }
0xb2: {  	s5 =	sor.u32 @!p0 s5, s7;
	[sflag:s6] =	ssyncadd.s32 @!p0 $0xFFFFFFFF  }
0xb3: {  	s25 =	simm.s32 $0x1B8E;
	s24 =	sld [smem:$0x3FFE];
	[sflag:s5] =	ssyncadd.remote.s32 @!p0 $0x1  }
0xb4: {  	s26 =	simm.s32 $execute0_lowered;
	[smem:$0x3FD2] =	sst s25  }
0xb5: {  	s6 =	sshll.u32 s26, $0x1;
	_ =	strace $0x80000052;
	[dreg:$0x1] =	wrdreg $0xFFFFFFFF  }
0xb6: {  	s28 =	simm.s32 $_size_execute0_lowered;
	s4 =	sadd.s32 s4, s6;
	[dreg:$0x0] =	wrdreg $0x0  }
0xb7: {  	s6 =	sshll.u32 s28, $0x1;
	[dreg:$0x2] =	wrdreg s4  }
0xb8: {  	[dreg:$0x3] =	wrdreg s6  }
0xb9: {  	[dreg:$0x4] =	wrdreg $0xC0  }
0xba: {  	_ =	task [dreg:s22], $0x5FFFF  }
0xbb: {  	[dreg:$0x1] =	wrdreg $0xFFFFFFFF  }
0xbc: {  	[dreg:$0x0] =	wrdreg $0x60  }
0xbd: {  	[dreg:$0x2] =	wrdreg s18  }
0xbe: {  	[dreg:$0x3] =	wrdreg s24  }
0xbf: {  	[dreg:$0x4] =	wrdreg $0xA  }
0xc0: {  	_ =	task.clear_ibuf [dreg:s22], $0x5FFFF;
	_ =	strace $0x90000052  }
0xc1: {  	s29 =	simm.s32 $0xA;
	_ =	strace $0x80000054  }
0xc2: {  	_ =	swait.ge [sflag:s29], $0x1  }
0xc3: {  	[sflag:s29] =	ssyncadd.s32 $0xFFFFFFFF  }
0xc4: {  	_ =	strace $0x90000054  }
0xc5: {  	_ =	sfence  }
0xc6: {  	s30 =	sld [smem:$0x0];
	_ =	sdelay $0x2  }
0xc7: {  	s31 =	sshll.u32 s1, $0xD;
	s1 =	sshrl.u32 s1, $0x2  }
0xc8: {  	s4 =	sand.u32 $0x4000, s31;
	s1 =	sadd.s32 s1, s30  }
0xc9: {  	s0 =	sor.u32 s4, s0;
	s1 =	sshll.u32 s1, $0x11  }
0xca: {  	s0 =	sor.u32 s1, s0  }
0xcb: {  	s0 =	sadd.s32 $0x8F2B, s0  }
0xcc: {  	[sflag:s0] =	ssyncadd.remote.s32 $0x1  }
0xcd: {  	_ =	sfence.sel $0xFFFF  }
0xce: {  	[dreg:$0x0] =	wrdreg $0xFFFFFFFF;
	(pc) =	sbr.abs _section_cstart, $3  }
0xcf: {  	[dreg:$0x1] =	wrdreg $0xFFFFFFFF  }
0xd0: {  	_ =	task.clear_ibuf [dreg:s22], $0x2FFFF;
	_ =	strace $0x9FFFFFFF  }
0xd1: {  	(tm) =	ssettm $0x7FFFFFFF  }
tec
execute0_lowered:
.L_overlay_start_1:
0x0: {  	(tag) =	ssettag $0x1  }
0x1: {  	s1 =	srdreg.scid;
	s0 =	stileid.u32  }
0x2: {  	s29 =	sand.u32 $0x1, s1;
	s26 =	sshll.u32 s0, $0x1  }
0x3: {  	s14 =	sor.u32 s29, s26  }
0x4: {  	s4 =	smul.u32 $0xC0, s14  }
0x5: {  	s8 =	rddreg [dreg:$0x1]  }
0x6: {  	s2 =	rddreg [dreg:$0x0];
	s3 =	simm.s32 $0x0;
	s4 =	sadd.s32 s4, s8  }
0x7: {  	[smem:$0x7FF] =	sst s3;
	s4 =	sadd.s32 $0x2400, s4  }
0x8: {  	_ =	strace $0x80000053;
	[dreg:$0x3] =	wrdreg s4  }
0x9: {  	s4 =	simm.s32 $0x2;
	s5 =	rddreg [dreg:$0x3]  }
0xa: {  	[tilespmem:s3], [sflag:$0x2] =	stream.linear.gather [hbm4b:s5+s3], $0x600, $0x38;
	[tilespmem:$0x4600] =	vst v63  }
0xb: {  	_ =	swait.ge [sflag:s4], $0x600  }
0xc: {  	s6 =	simm.s32 $0x600;
	[sflag:s4] =	ssyncset.done $0x0  }
0xd: {  	s7 =	simm.s32 $0x1;
	s5 =	simm.s32 $0x80;
	[sflag:s4] =	ssyncadd.s32 $0xFFFFFA00  }
0xe: {  	[tilespmem:s6], [sflag:$0x1] =	stream.indirect.gather [hbm4b:s2+s5], $0x80, s3, s5, $0xb8;
	[tilespmem:$0x4600] =	vst v63  }
0xf: {  	s9 =	smul.u32 $0x6000, s14;
	_ =	swait.ge [sflag:s7], $0x4000  }
0x10: {  	s15 =	sadd.s32 $0x3C00, s8;
	[sflag:s7] =	ssyncset.done $0x0  }
0x11: {  	s8 =	sadd.s32 s15, s9;
	[sflag:s7] =	ssyncadd.s32 $0xFFFFC000  }
0x12: {  	[hbm4b:s8+s3] =	stream.linear.scatter [tilespmem:s6], [sflag:$0x2], $0x4000, $0x38;
	[tilespmem:$0x4600] =	vst v63  }
0x13: {  	_ =	swait.ge [sflag:s4], $0x4000  }
0x14: {  	[sflag:s4] =	ssyncset.done $0x0  }
0x15: {  	[sflag:s4] =	ssyncadd.s32 $0xFFFFC000  }
0x16: {  	[tilespmem:s6], [sflag:$0x1] =	stream.indirect.gather [hbm4b:s2+s5], $0x80, s5, s5, $0xb8;
	[tilespmem:$0x4600] =	vst v63  }
0x17: {  	_ =	swait.ge [sflag:s7], $0x4000  }
0x18: {  	[sflag:s7] =	ssyncset.done $0x0  }
0x19: {  	s9 =	sadd.s32 $0x800, s8;
	[sflag:s7] =	ssyncadd.s32 $0xFFFFC000  }
0x1a: {  	[hbm4b:s9+s3] =	stream.linear.scatter [tilespmem:s6], [sflag:$0x2], $0x4000, $0x38;
	[tilespmem:$0x4600] =	vst v63  }
0x1b: {  	_ =	swait.ge [sflag:s4], $0x4000  }
0x1c: {  	[sflag:s4] =	ssyncset.done $0x0  }
0x1d: {  	s10 =	simm.s32 $0x100;
	[sflag:s4] =	ssyncadd.s32 $0xFFFFC000  }
0x1e: {  	[tilespmem:s6], [sflag:$0x1] =	stream.indirect.gather [hbm4b:s2+s5], $0x80, s10, s5, $0xb8;
	[tilespmem:$0x4600] =	vst v63  }
0x1f: {  	_ =	swait.ge [sflag:s7], $0x4000  }
0x20: {  	[sflag:s7] =	ssyncset.done $0x0  }
0x21: {  	s11 =	sadd.s32 $0x1000, s8;
	[sflag:s7] =	ssyncadd.s32 $0xFFFFC000  }
0x22: {  	[hbm4b:s11+s3] =	stream.linear.scatter [tilespmem:s6], [sflag:$0x2], $0x4000, $0x38;
	[tilespmem:$0x4600] =	vst v63  }
0x23: {  	_ =	swait.ge [sflag:s4], $0x4000  }
0x24: {  	[sflag:s4] =	ssyncset.done $0x0  }
0x25: {  	s12 =	simm.s32 $0x180;
	[sflag:s4] =	ssyncadd.s32 $0xFFFFC000  }
0x26: {  	[tilespmem:s6], [sflag:$0x1] =	stream.indirect.gather [hbm4b:s2+s5], $0x80, s12, s5, $0xb8;
	[tilespmem:$0x4600] =	vst v63  }
0x27: {  	_ =	swait.ge [sflag:s7], $0x4000  }
0x28: {  	[sflag:s7] =	ssyncset.done $0x0  }
0x29: {  	s13 =	sadd.s32 $0x1800, s8;
	[sflag:s7] =	ssyncadd.s32 $0xFFFFC000  }
0x2a: {  	[hbm4b:s13+s3] =	stream.linear.scatter [tilespmem:s6], [sflag:$0x2], $0x4000, $0x38;
	[tilespmem:$0x4600] =	vst v63  }
0x2b: {  	_ =	swait.ge [sflag:s4], $0x4000  }
0x2c: {  	[sflag:s4] =	ssyncset.done $0x0  }
0x2d: {  	s16 =	smul.u32 $0x30000, s14;
	s14 =	simm.s32 $0x200;
	[sflag:s4] =	ssyncadd.s32 $0xFFFFC000  }
0x2e: {  	[tilespmem:s6], [sflag:$0x1] =	stream.indirect.gather [hbm4b:s2+s5], $0x80, s14, s5, $0xb8;
	[tilespmem:$0x4600] =	vst v63  }
0x2f: {  	s16 =	sshrl.u32 s16, $0x3;
	_ =	swait.ge [sflag:s7], $0x4000  }
0x30: {  	s30 =	sadd.s32 s15, s16;
	[sflag:s7] =	ssyncset.done $0x0  }
0x31: {  	s15 =	sadd.s32 $0x2000, s30;
	[sflag:s7] =	ssyncadd.s32 $0xFFFFC000  }
0x32: {  	[hbm4b:s15+s3] =	stream.linear.scatter [tilespmem:s6], [sflag:$0x2], $0x4000, $0x38;
	[tilespmem:$0x4600] =	vst v63  }
0x33: {  	_ =	swait.ge [sflag:s4], $0x4000  }
0x34: {  	[sflag:s4] =	ssyncset.done $0x0  }
0x35: {  	s16 =	simm.s32 $0x280;
	[sflag:s4] =	ssyncadd.s32 $0xFFFFC000  }
0x36: {  	[tilespmem:s6], [sflag:$0x1] =	stream.indirect.gather [hbm4b:s2+s5], $0x80, s16, s5, $0xb8;
	[tilespmem:$0x4600] =	vst v63  }
0x37: {  	_ =	swait.ge [sflag:s7], $0x4000  }
0x38: {  	[sflag:s7] =	ssyncset.done $0x0  }
0x39: {  	s17 =	sadd.s32 $0x2800, s30;
	[sflag:s7] =	ssyncadd.s32 $0xFFFFC000  }
0x3a: {  	[hbm4b:s17+s3] =	stream.linear.scatter [tilespmem:s6], [sflag:$0x2], $0x4000, $0x38;
	[tilespmem:$0x4600] =	vst v63  }
0x3b: {  	_ =	swait.ge [sflag:s4], $0x4000  }
0x3c: {  	[sflag:s4] =	ssyncset.done $0x0  }
0x3d: {  	s18 =	simm.s32 $0x300;
	[sflag:s4] =	ssyncadd.s32 $0xFFFFC000  }
0x3e: {  	[tilespmem:s6], [sflag:$0x1] =	stream.indirect.gather [hbm4b:s2+s5], $0x80, s18, s5, $0xb8;
	[tilespmem:$0x4600] =	vst v63  }
0x3f: {  	_ =	swait.ge [sflag:s7], $0x4000  }
0x40: {  	[sflag:s7] =	ssyncset.done $0x0  }
0x41: {  	s19 =	sadd.s32 $0x3000, s30;
	[sflag:s7] =	ssyncadd.s32 $0xFFFFC000  }
0x42: {  	[hbm4b:s19+s3] =	stream.linear.scatter [tilespmem:s6], [sflag:$0x2], $0x4000, $0x38;
	[tilespmem:$0x4600] =	vst v63  }
0x43: {  	_ =	swait.ge [sflag:s4], $0x4000  }
0x44: {  	[sflag:s4] =	ssyncset.done $0x0  }
0x45: {  	s20 =	simm.s32 $0x380;
	[sflag:s4] =	ssyncadd.s32 $0xFFFFC000  }
0x46: {  	[tilespmem:s6], [sflag:$0x1] =	stream.indirect.gather [hbm4b:s2+s5], $0x80, s20, s5, $0xb8;
	[tilespmem:$0x4600] =	vst v63  }
0x47: {  	_ =	swait.ge [sflag:s7], $0x4000  }
0x48: {  	[sflag:s7] =	ssyncset.done $0x0  }
0x49: {  	s21 =	sadd.s32 $0x3800, s30;
	[sflag:s7] =	ssyncadd.s32 $0xFFFFC000  }
0x4a: {  	[hbm4b:s21+s3] =	stream.linear.scatter [tilespmem:s6], [sflag:$0x2], $0x4000, $0x38;
	[tilespmem:$0x4600] =	vst v63  }
0x4b: {  	_ =	swait.ge [sflag:s4], $0x4000  }
0x4c: {  	[sflag:s4] =	ssyncset.done $0x0  }
0x4d: {  	s22 =	simm.s32 $0x400;
	[sflag:s4] =	ssyncadd.s32 $0xFFFFC000  }
0x4e: {  	[tilespmem:s6], [sflag:$0x1] =	stream.indirect.gather [hbm4b:s2+s5], $0x80, s22, s5, $0xb8;
	[tilespmem:$0x4600] =	vst v63  }
0x4f: {  	_ =	swait.ge [sflag:s7], $0x4000  }
0x50: {  	[sflag:s7] =	ssyncset.done $0x0  }
0x51: {  	s23 =	sadd.s32 $0x4000, s30;
	[sflag:s7] =	ssyncadd.s32 $0xFFFFC000  }
0x52: {  	[hbm4b:s23+s3] =	stream.linear.scatter [tilespmem:s6], [sflag:$0x2], $0x4000, $0x38;
	[tilespmem:$0x4600] =	vst v63  }
0x53: {  	_ =	swait.ge [sflag:s4], $0x4000  }
0x54: {  	[sflag:s4] =	ssyncset.done $0x0  }
0x55: {  	s24 =	simm.s32 $0x480;
	[sflag:s4] =	ssyncadd.s32 $0xFFFFC000  }
0x56: {  	[tilespmem:s6], [sflag:$0x1] =	stream.indirect.gather [hbm4b:s2+s5], $0x80, s24, s5, $0xb8;
	[tilespmem:$0x4600] =	vst v63  }
0x57: {  	_ =	swait.ge [sflag:s7], $0x4000  }
0x58: {  	[sflag:s7] =	ssyncset.done $0x0  }
0x59: {  	s25 =	sadd.s32 $0x4800, s30;
	[sflag:s7] =	ssyncadd.s32 $0xFFFFC000  }
0x5a: {  	[hbm4b:s25+s3] =	stream.linear.scatter [tilespmem:s6], [sflag:$0x2], $0x4000, $0x38;
	[tilespmem:$0x4600] =	vst v63  }
0x5b: {  	_ =	swait.ge [sflag:s4], $0x4000  }
0x5c: {  	[sflag:s4] =	ssyncset.done $0x0  }
0x5d: {  	s26 =	simm.s32 $0x500;
	[sflag:s4] =	ssyncadd.s32 $0xFFFFC000  }
0x5e: {  	[tilespmem:s6], [sflag:$0x1] =	stream.indirect.gather [hbm4b:s2+s5], $0x80, s26, s5, $0xb8;
	[tilespmem:$0x4600] =	vst v63  }
0x5f: {  	_ =	swait.ge [sflag:s7], $0x4000  }
0x60: {  	s31 =	ssub.s32 $0x2, s29;
	[sflag:s7] =	ssyncset.done $0x0  }
0x61: {  	s1 =	sshrl.u32 s31, $0x1;
	s28 =	sadd.s32 $0x5000, s30;
	[sflag:s7] =	ssyncadd.s32 $0xFFFFC000  }
0x62: {  	[hbm4b:s28+s3] =	stream.linear.scatter [tilespmem:s6], [sflag:$0x2], $0x4000, $0x38;
	[tilespmem:$0x4600] =	vst v63  }
0x63: {  	s1 =	ssub.s32 s31, s1;
	_ =	swait.ge [sflag:s4], $0x4000  }
0x64: {  	s1 =	smax.u32 s1, $0x1;
	[sflag:s4] =	ssyncset.done $0x0  }
0x65: {  	s29 =	simm.s32 $0x580;
	p0 =	sne.s32 s1, $0x1;
	[sflag:s4] =	ssyncadd.s32 $0xFFFFC000  }
0x66: {  	[tilespmem:s6], [sflag:$0x1] =	stream.indirect.gather [hbm4b:s2+s5], $0x80, s29, s5, $0xb8;
	[tilespmem:$0x4600] =	vst v63  }
.Ltmp0:
0x67: {  	_ =	swait.ge [sflag:s7], $0x4000;
	(pc) =	sbr.rel @!p0 .LBB2_2-.Ltmp0, $4  }
0x68: {  	[sflag:s7] =	ssyncset.done $0x0  }
0x69: {  	s30 =	sadd.s32 $0x5800, s30;
	[sflag:s7] =	ssyncadd.s32 $0xFFFFC000  }
0x6a: {  	[hbm4b:s30+s3] =	stream.linear.scatter [tilespmem:s6], [sflag:$0x2], $0x4000, $0x38;
	[tilespmem:$0x4600] =	vst v63  }
0x6b: {  	s31 =	sadd.s32 $0xFFFFFFFF, s1;
	_ =	swait.ge [sflag:s4], $0x4000  }
.LBB2_1:
0x6c: {  	[sflag:s4] =	ssyncset.done $0x0  }
0x6d: {  	s1 =	rddreg [dreg:$0x3];
	[sflag:s4] =	ssyncadd.s32 $0xFFFFC000  }
0x6e: {  	[tilespmem:s3], [sflag:$0x2] =	stream.linear.gather [hbm4b:s1+s3], $0x600, $0x38;
	[tilespmem:$0x4600] =	vst v63  }
0x6f: {  	_ =	swait.ge [sflag:s4], $0x600  }
0x70: {  	[sflag:s4] =	ssyncset.done $0x0  }
0x71: {  	[sflag:s4] =	ssyncadd.s32 $0xFFFFFA00  }
0x72: {  	[tilespmem:s6], [sflag:$0x1] =	stream.indirect.gather [hbm4b:s2+s5], $0x80, s3, s5, $0xb8;
	[tilespmem:$0x4600] =	vst v63  }
0x73: {  	_ =	swait.ge [sflag:s7], $0x4000  }
0x74: {  	[sflag:s7] =	ssyncset.done $0x0  }
0x75: {  	[sflag:s7] =	ssyncadd.s32 $0xFFFFC000  }
0x76: {  	[hbm4b:s8+s3] =	stream.linear.scatter [tilespmem:s6], [sflag:$0x2], $0x4000, $0x38;
	[tilespmem:$0x4600] =	vst v63  }
0x77: {  	_ =	swait.ge [sflag:s4], $0x4000  }
0x78: {  	[sflag:s4] =	ssyncset.done $0x0  }
0x79: {  	[sflag:s4] =	ssyncadd.s32 $0xFFFFC000  }
0x7a: {  	[tilespmem:s6], [sflag:$0x1] =	stream.indirect.gather [hbm4b:s2+s5], $0x80, s5, s5, $0xb8;
	[tilespmem:$0x4600] =	vst v63  }
0x7b: {  	_ =	swait.ge [sflag:s7], $0x4000  }
0x7c: {  	[sflag:s7] =	ssyncset.done $0x0  }
0x7d: {  	[sflag:s7] =	ssyncadd.s32 $0xFFFFC000  }
0x7e: {  	[hbm4b:s9+s3] =	stream.linear.scatter [tilespmem:s6], [sflag:$0x2], $0x4000, $0x38;
	[tilespmem:$0x4600] =	vst v63  }
0x7f: {  	_ =	swait.ge [sflag:s4], $0x4000  }
0x80: {  	[sflag:s4] =	ssyncset.done $0x0  }
0x81: {  	[sflag:s4] =	ssyncadd.s32 $0xFFFFC000  }
0x82: {  	[tilespmem:s6], [sflag:$0x1] =	stream.indirect.gather [hbm4b:s2+s5], $0x80, s10, s5, $0xb8;
	[tilespmem:$0x4600] =	vst v63  }
0x83: {  	_ =	swait.ge [sflag:s7], $0x4000  }
0x84: {  	[sflag:s7] =	ssyncset.done $0x0  }
0x85: {  	[sflag:s7] =	ssyncadd.s32 $0xFFFFC000  }
0x86: {  	[hbm4b:s11+s3] =	stream.linear.scatter [tilespmem:s6], [sflag:$0x2], $0x4000, $0x38;
	[tilespmem:$0x4600] =	vst v63  }
0x87: {  	_ =	swait.ge [sflag:s4], $0x4000  }
0x88: {  	[sflag:s4] =	ssyncset.done $0x0  }
0x89: {  	[sflag:s4] =	ssyncadd.s32 $0xFFFFC000  }
0x8a: {  	[tilespmem:s6], [sflag:$0x1] =	stream.indirect.gather [hbm4b:s2+s5], $0x80, s12, s5, $0xb8;
	[tilespmem:$0x4600] =	vst v63  }
0x8b: {  	_ =	swait.ge [sflag:s7], $0x4000  }
0x8c: {  	[sflag:s7] =	ssyncset.done $0x0  }
0x8d: {  	[sflag:s7] =	ssyncadd.s32 $0xFFFFC000  }
0x8e: {  	[hbm4b:s13+s3] =	stream.linear.scatter [tilespmem:s6], [sflag:$0x2], $0x4000, $0x38;
	[tilespmem:$0x4600] =	vst v63  }
0x8f: {  	_ =	swait.ge [sflag:s4], $0x4000  }
0x90: {  	[sflag:s4] =	ssyncset.done $0x0  }
0x91: {  	[sflag:s4] =	ssyncadd.s32 $0xFFFFC000  }
0x92: {  	[tilespmem:s6], [sflag:$0x1] =	stream.indirect.gather [hbm4b:s2+s5], $0x80, s14, s5, $0xb8;
	[tilespmem:$0x4600] =	vst v63  }
0x93: {  	_ =	swait.ge [sflag:s7], $0x4000  }
0x94: {  	[sflag:s7] =	ssyncset.done $0x0  }
0x95: {  	[sflag:s7] =	ssyncadd.s32 $0xFFFFC000  }
0x96: {  	[hbm4b:s15+s3] =	stream.linear.scatter [tilespmem:s6], [sflag:$0x2], $0x4000, $0x38;
	[tilespmem:$0x4600] =	vst v63  }
0x97: {  	_ =	swait.ge [sflag:s4], $0x4000  }
0x98: {  	[sflag:s4] =	ssyncset.done $0x0  }
0x99: {  	[sflag:s4] =	ssyncadd.s32 $0xFFFFC000  }
0x9a: {  	[tilespmem:s6], [sflag:$0x1] =	stream.indirect.gather [hbm4b:s2+s5], $0x80, s16, s5, $0xb8;
	[tilespmem:$0x4600] =	vst v63  }
0x9b: {  	_ =	swait.ge [sflag:s7], $0x4000  }
0x9c: {  	[sflag:s7] =	ssyncset.done $0x0  }
0x9d: {  	[sflag:s7] =	ssyncadd.s32 $0xFFFFC000  }
0x9e: {  	[hbm4b:s17+s3] =	stream.linear.scatter [tilespmem:s6], [sflag:$0x2], $0x4000, $0x38;
	[tilespmem:$0x4600] =	vst v63  }
0x9f: {  	_ =	swait.ge [sflag:s4], $0x4000  }
0xa0: {  	[sflag:s4] =	ssyncset.done $0x0  }
0xa1: {  	[sflag:s4] =	ssyncadd.s32 $0xFFFFC000  }
0xa2: {  	[tilespmem:s6], [sflag:$0x1] =	stream.indirect.gather [hbm4b:s2+s5], $0x80, s18, s5, $0xb8;
	[tilespmem:$0x4600] =	vst v63  }
0xa3: {  	_ =	swait.ge [sflag:s7], $0x4000  }
0xa4: {  	[sflag:s7] =	ssyncset.done $0x0  }
0xa5: {  	[sflag:s7] =	ssyncadd.s32 $0xFFFFC000  }
0xa6: {  	[hbm4b:s19+s3] =	stream.linear.scatter [tilespmem:s6], [sflag:$0x2], $0x4000, $0x38;
	[tilespmem:$0x4600] =	vst v63  }
0xa7: {  	_ =	swait.ge [sflag:s4], $0x4000  }
0xa8: {  	[sflag:s4] =	ssyncset.done $0x0  }
0xa9: {  	[sflag:s4] =	ssyncadd.s32 $0xFFFFC000  }
0xaa: {  	[tilespmem:s6], [sflag:$0x1] =	stream.indirect.gather [hbm4b:s2+s5], $0x80, s20, s5, $0xb8;
	[tilespmem:$0x4600] =	vst v63  }
0xab: {  	_ =	swait.ge [sflag:s7], $0x4000  }
0xac: {  	[sflag:s7] =	ssyncset.done $0x0  }
0xad: {  	[sflag:s7] =	ssyncadd.s32 $0xFFFFC000  }
0xae: {  	[hbm4b:s21+s3] =	stream.linear.scatter [tilespmem:s6], [sflag:$0x2], $0x4000, $0x38;
	[tilespmem:$0x4600] =	vst v63  }
0xaf: {  	_ =	swait.ge [sflag:s4], $0x4000  }
0xb0: {  	[sflag:s4] =	ssyncset.done $0x0  }
0xb1: {  	[sflag:s4] =	ssyncadd.s32 $0xFFFFC000  }
0xb2: {  	[tilespmem:s6], [sflag:$0x1] =	stream.indirect.gather [hbm4b:s2+s5], $0x80, s22, s5, $0xb8;
	[tilespmem:$0x4600] =	vst v63  }
0xb3: {  	_ =	swait.ge [sflag:s7], $0x4000  }
0xb4: {  	[sflag:s7] =	ssyncset.done $0x0  }
0xb5: {  	[sflag:s7] =	ssyncadd.s32 $0xFFFFC000  }
0xb6: {  	[hbm4b:s23+s3] =	stream.linear.scatter [tilespmem:s6], [sflag:$0x2], $0x4000, $0x38;
	[tilespmem:$0x4600] =	vst v63  }
0xb7: {  	_ =	swait.ge [sflag:s4], $0x4000  }
0xb8: {  	[sflag:s4] =	ssyncset.done $0x0  }
0xb9: {  	[sflag:s4] =	ssyncadd.s32 $0xFFFFC000  }
0xba: {  	[tilespmem:s6], [sflag:$0x1] =	stream.indirect.gather [hbm4b:s2+s5], $0x80, s24, s5, $0xb8;
	[tilespmem:$0x4600] =	vst v63  }
0xbb: {  	_ =	swait.ge [sflag:s7], $0x4000  }
0xbc: {  	[sflag:s7] =	ssyncset.done $0x0  }
0xbd: {  	[sflag:s7] =	ssyncadd.s32 $0xFFFFC000  }
0xbe: {  	[hbm4b:s25+s3] =	stream.linear.scatter [tilespmem:s6], [sflag:$0x2], $0x4000, $0x38;
	[tilespmem:$0x4600] =	vst v63  }
0xbf: {  	_ =	swait.ge [sflag:s4], $0x4000  }
0xc0: {  	[sflag:s4] =	ssyncset.done $0x0  }
0xc1: {  	[sflag:s4] =	ssyncadd.s32 $0xFFFFC000  }
0xc2: {  	[tilespmem:s6], [sflag:$0x1] =	stream.indirect.gather [hbm4b:s2+s5], $0x80, s26, s5, $0xb8;
	[tilespmem:$0x4600] =	vst v63  }
0xc3: {  	_ =	swait.ge [sflag:s7], $0x4000  }
0xc4: {  	[sflag:s7] =	ssyncset.done $0x0  }
0xc5: {  	[sflag:s7] =	ssyncadd.s32 $0xFFFFC000  }
0xc6: {  	[hbm4b:s28+s3] =	stream.linear.scatter [tilespmem:s6], [sflag:$0x2], $0x4000, $0x38;
	[tilespmem:$0x4600] =	vst v63  }
0xc7: {  	_ =	swait.ge [sflag:s4], $0x4000  }
0xc8: {  	[sflag:s4] =	ssyncset.done $0x0  }
0xc9: {  	p0 =	sne.s32 s31, $0x1;
	[sflag:s4] =	ssyncadd.s32 $0xFFFFC000  }
0xca: {  	[tilespmem:s6], [sflag:$0x1] =	stream.indirect.gather [hbm4b:s2+s5], $0x80, s29, s5, $0xb8;
	[tilespmem:$0x4600] =	vst v63  }
.Ltmp1:
0xcb: {  	_ =	swait.ge [sflag:s7], $0x4000;
	(pc) =	sbr.rel @p0 .LBB2_1-.Ltmp1, $4  }
0xcc: {  	[sflag:s7] =	ssyncset.done $0x0  }
0xcd: {  	[sflag:s7] =	ssyncadd.s32 $0xFFFFC000  }
0xce: {  	[hbm4b:s30+s3] =	stream.linear.scatter [tilespmem:s6], [sflag:$0x2], $0x4000, $0x38;
	[tilespmem:$0x4600] =	vst v63  }
0xcf: {  	s31 =	sadd.s32 $0xFFFFFFFF, s31;
	_ =	swait.ge [sflag:s4], $0x4000  }
.LBB2_2:
0xd0: {  	[sflag:s4] =	ssyncset.done $0x0  }
0xd1: {  	[sflag:s4] =	ssyncadd.s32 $0xFFFFC000  }
0xd2: {  	_ =	sfence.sel $0x180000  }
0xd3: {  	[bflag:$0x0] =	sbarrier.arrive $0xFFFF  }
0xd4: {  	_ =	strace $0x90000053  }
0xd5: {  	[bflag:$0x2] =	sbarrier.arrive $0xFFFF  }
0xd6: {  	p0 =	sne.s32 s0, $0x0;
	s0 =	rddreg [dreg:$0x2]  }
0xd7: {  	s0 =	sadd.s32 @!p0 $0x100000, s0  }
0xd8: {  	[sflag:s0] =	ssyncadd.tile.s32 @!p0 $0x1;
	_ =	shalt  }
.Lfunc_end2:
_tile_overlayer_lowered:
.L_overlay_start_2:
0xd9: {  	(tag) =	ssettag $0x2  }
0xda: {  	s0 =	rddreg [dreg:$0x0];
	s2 =	stileid.u32  }
0xdb: {  	s1 =	rddreg [dreg:$0x1];
	p0 =	sne.s32 s2, $0x0  }
0xdc: {  	s3 =	rddreg [dreg:$0x2];
	[bflag:$0x3] =	sbarrier.arrive $0xFFFF;
	s2 =	simm.s32 @!p0 $0x1C02  }
0xdd: {  	[timem:s3], [sflag:s2] =	dma.local @!p0 [hbm:s0], s1  }
0xde: {  	s0 =	simm.s32 @!p0 $0x2  }
0xdf: {  	_ =	swait.ge @!p0 [sflag:s0], s1  }
0xe0: {  	s1 =	ssub.s32 @!p0 $0x0, s1;
	[sflag:s0] =	ssyncset.done @!p0 $0x0  }
0xe1: {  	[sflag:s0] =	ssyncadd.s32 @!p0 s1  }
0xe2: {  	[bflag:$0x3] =	sbarrier.arrive $0xFFFF  }
0xe3: {  	_ =	shalt  }

</sc_bundles>
